<compile_context>
chip_gen: v7x
topology: tpu7x:2x2x1
jax: 0.10.2.dev20260603
libtpu: 0.0.44.dev20260713+nightly
codegen_flags: <defaults>
</compile_context>

<pallas_src>
import functools

import jax
import jax.numpy as jnp
from jax import lax
from jax.experimental import pallas as pl
from jax.experimental.pallas import tpu as pltpu
from jax.experimental.pallas import tpu_sc as plsc

NUM_COLORS = 10
D_MODEL = 128
MAX_LEN = 900
B = 1024
L = 900

NUM_WORKERS = 32
ROWS_W = B // NUM_WORKERS
LANES = 16
LROW = 912
NVEC = LROW // LANES


def _comb_body(tok_ref, pos_ref, out_ref):
    out_ref[...] = pos_ref[...][:, None, :] + tok_ref[...][None, :, :]


def _build_comb(tok, pos):
    return pl.pallas_call(
        _comb_body,
        out_shape=jax.ShapeDtypeStruct((MAX_LEN, NUM_COLORS, D_MODEL),
                                       jnp.float32),
    )(tok, pos)


_sc_mesh = plsc.VectorSubcoreMesh(core_axis_name="c", subcore_axis_name="s")


@functools.partial(
    pl.kernel,
    out_type=jax.ShapeDtypeStruct((B, L, D_MODEL), jnp.float32),
    mesh=_sc_mesh,
    scratch_types=[
        pltpu.VMEM((LROW,), jnp.int32),
        pltpu.VMEM((LROW,), jnp.int32),
        pltpu.VMEM((1024,), jnp.int32),
        pltpu.VMEM((1024,), jnp.int32),
        pltpu.VMEM((L, D_MODEL), jnp.float32),
        pltpu.SemaphoreType.DMA,
        pltpu.SemaphoreType.DMA,
    ],
)
def _sc_gather(comb_hbm, x_hbm, out_hbm, xv, l10v, idx0, idx1, rowsv,
               gsem, wsem):
    s = lax.axis_index("s")
    wid = s * 2 + lax.axis_index("c")
    row0 = wid * ROWS_W
    idxb = (idx0, idx1)
    lane = lax.iota(jnp.int32, LANES)

    def l10_body(k, c):
        o = k * LANES
        l10v[pl.ds(o, LANES)] = (o + lane) * NUM_COLORS
        return c

    lax.fori_loop(0, NVEC, l10_body, 0)

    def _row_of(t):
        return row0 + lax.rem(t + 2 * s, jnp.int32(ROWS_W))

    def stage_x(t):
        pltpu.sync_copy(x_hbm.at[pl.ds(_row_of(t) * LROW, LROW)], xv)

    def idx_compute(p):
        def body(k, c):
            o = k * LANES
            idxb[p][pl.ds(o, LANES)] = l10v[pl.ds(o, LANES)] + \
                xv[pl.ds(o, LANES)]
            return c

        lax.fori_loop(0, NVEC, body, 0)

    def gfire(p):
        for j in range(7):
            pltpu.async_copy(
                comb_hbm.at[idxb[p].at[pl.ds(j * 120, 120)]],
                rowsv.at[pl.ds(j * 120, 120)], gsem)
        pltpu.async_copy(
            comb_hbm.at[idxb[p].at[pl.ds(840, 60)]],
            rowsv.at[pl.ds(840, 60)], gsem)

    def gdrain(p):
        for j in range(7):
            pltpu.make_async_copy(
                comb_hbm.at[idxb[p].at[pl.ds(j * 120, 120)]],
                rowsv.at[pl.ds(j * 120, 120)], gsem).wait()
        pltpu.make_async_copy(
            comb_hbm.at[idxb[p].at[pl.ds(840, 60)]],
            rowsv.at[pl.ds(840, 60)], gsem).wait()

    def wfire(t):
        pltpu.async_copy(rowsv, out_hbm.at[_row_of(t)], wsem)

    def wwait():
        pltpu.make_async_copy(rowsv, out_hbm.at[0], wsem).wait()

    stage_x(0)
    idx_compute(0)

    def step_body(k, c):
        for sub in range(2):
            t = k * 2 + sub
            p = sub
            if sub == 0:
                @pl.when(k > 0)
                def _():
                    wwait()
            else:
                wwait()

            gfire(p)

            if sub == 0:
                stage_x(t + 1)
                idx_compute(1 - p)
            else:
                @pl.when(k < ROWS_W // 2 - 1)
                def _(t=t, p=p):
                    stage_x(t + 1)
                    idx_compute(1 - p)

            gdrain(p)
            wfire(t)
        return c

    lax.fori_loop(0, ROWS_W // 2, step_body, 0)
    wwait()


def kernel(x, tok_weight, pos_weight):
    comb = _build_comb(tok_weight, pos_weight)
    comb_flat = comb.reshape(MAX_LEN * NUM_COLORS, D_MODEL)
    x_pad = jnp.pad(x.astype(jnp.int32), ((0, 0), (0, LROW - L)))
    return _sc_gather(comb_flat, x_pad.reshape(-1))

# --- scband reference (transcript-rebuilt; emitter-appended) ---
"""Pipeline reference for scband-grid-encoder-23794118820170 (READ-ONLY COPY).

The authoritative reference and input builder live on the scoring server;
editing this copy changes nothing except your own understanding.
"""

import jax, jax.numpy as jnp
import numpy as np

NUM_COLORS = 10
D_MODEL = 128
MAX_LEN = 900
B = 1024
L = 900

def setup_inputs(seed: int = 0) -> dict:
    key = jax.random.key(seed)
    k_x, k_tok, k_pos = jax.random.split(key, 3)
    x = jax.random.randint(k_x, (B, L), 0, NUM_COLORS, dtype=jnp.int64 if jax.config.read('jax_enable_x64') else jnp.int32)
    tok_weight = jax.random.normal(k_tok, (NUM_COLORS, D_MODEL), dtype=jnp.float32)
    pos_weight = jax.random.normal(k_pos, (MAX_LEN, D_MODEL), dtype=jnp.float32) * 0.02
    return {"x": x, "tok_weight": tok_weight, "pos_weight": pos_weight}

def reference(x, tok_weight, pos_weight):
    Bc, Lc = x.shape
    pe = pos_weight[:Lc][None, :, :]  # (1, L, D) broadcast over batch
    tok_emb = jnp.take(tok_weight, x, axis=0)  # gather: (B, L, D)
    return tok_emb + pe

if __name__ == "__main__":
    import jax
    _d = setup_inputs()
    print(jax.jit(kernel)(*tuple(_d.values())))

</pallas_src>

<mosaic_0001>
#map = affine_map<(d0, d1) -> (0, 0)>
#map1 = affine_map<(d0, d1) -> (0)>
#map2 = affine_map<(d0, d1) -> (0, 0, 0)>
module attributes {stable_mosaic.version = 14 : i64} {
  func.func @_sc_gather(%arg0: i32, %arg1: i32, %arg2: memref<9000x128xf32, #tpu.memory_space<hbm>>, %arg3: memref<933888xi32, #tpu.memory_space<hbm>>, %arg4: memref<1024x900x128xf32, #tpu.memory_space<hbm>>, %arg5: memref<912xi32, #tpu.memory_space<vmem>>, %arg6: memref<912xi32, #tpu.memory_space<vmem>>, %arg7: memref<1024xi32, #tpu.memory_space<vmem>>, %arg8: memref<1024xi32, #tpu.memory_space<vmem>>, %arg9: memref<900x128xf32, #tpu.memory_space<vmem>>, %arg10: memref<!tpu.dma_semaphore, #tpu.memory_space<semaphore_mem>>, %arg11: memref<!tpu.dma_semaphore, #tpu.memory_space<semaphore_mem>>) attributes {dimension_semantics = [#tpu.dimension_semantics<core_parallel>, #tpu.dimension_semantics<subcore_parallel>], iteration_bounds = array<i64: 2, 16>, scalar_prefetch = 0 : i64, scratch_operands = 7 : i64, tpu.core_type = #tpu.core_type<sc_vector_subcore>, window_params = [{transform_indices = #map}, {transform_indices = #map1}, {transform_indices = #map2}]} {
    %mul3A = arith.constant 2 : i32
    %mul3A_0 = arith.muli %arg1, %mul3A : i32
    %add3A = arith.addi %mul3A_0, %arg0 : i32
    %mul3A_1 = arith.constant 32 : i32
    %mul3A_2 = arith.muli %add3A, %mul3A_1 : i32
    %iota3A = tpu.iota {dimensions = array<i32: 0>} : vector<16xi32>
    %scan3A = arith.constant 0 : i32
    %scan3A_3 = arith.constant 0 : i32
    %scan3A_4 = arith.constant 57 : i32
    %scan3A_5 = arith.addi %scan3A_3, %scan3A_4 : i32
    %scan3A_6 = arith.constant 1 : i32
    scf.for %scan3A_36 = %scan3A_3 to %scan3A_5 step %scan3A_6  : i32 {
      %mul3A_37 = arith.constant 16 : i32
      %mul3A_38 = arith.muli %scan3A_36, %mul3A_37 : i32
      %add3A_39 = vector.broadcast %mul3A_38 : i32 to vector<16xi32>
      %add3A_40 = arith.addi %add3A_39, %iota3A : vector<16xi32>
      %mul3A_41 = arith.constant 10 : i32
      %mul3A_42 = vector.broadcast %mul3A_41 : i32 to vector<16xi32>
      %mul3A_43 = arith.muli %add3A_40, %mul3A_42 : vector<16xi32>
      %swap3A = arith.index_cast %mul3A_38 : i32 to index
      %swap3A_44 = tpu.vector_load %arg6[%swap3A] {strides = array<i32>} : memref<912xi32, #tpu.memory_space<vmem>>, vector<16xi32>,
      %swap3A_45 = vector.shape_cast %swap3A_44 : vector<16xi32> to vector<16xi32>
      %swap3A_46 = vector.shape_cast %mul3A_43 : vector<16xi32> to vector<16xi32>
      tpu.vector_store %arg6[%swap3A], %swap3A_46 {strides = array<i32>} : memref<912xi32, #tpu.memory_space<vmem>>, vector<16xi32>,
    }
    %scan3A_7 = arith.constant 57 : i32
    %mul3A_8 = arith.constant 2 : i32
    %mul3A_9 = arith.muli %mul3A_8, %arg1 : i32
    %add3A_10 = arith.constant 0 : i32
    %add3A_11 = arith.addi %add3A_10, %mul3A_9 : i32
    %rem3A = arith.constant 32 : i32
    %rem3A_12 = arith.remsi %add3A_11, %rem3A : i32
    %add3A_13 = arith.addi %mul3A_2, %rem3A_12 : i32
    %mul3A_14 = arith.constant 912 : i32
    %mul3A_15 = arith.muli %add3A_13, %mul3A_14 : i32
    "tpu.region"() ({
      %run_scoped3A = tpu.sem_alloc : memref<!tpu.dma_semaphore, #tpu.memory_space<semaphore_mem>>
      %dma_start3A = tpu.memref_slice %arg3[%mul3A_15] : memref<933888xi32, #tpu.memory_space<hbm>> -> memref<912xi32, #tpu.memory_space<hbm>>
      %dma_start3A_36 = tpu.memref_slice %arg3[%mul3A_15] : memref<933888xi32, #tpu.memory_space<hbm>> -> memref<912xi32, #tpu.memory_space<hbm>>
      tpu.enqueue_dma source(%dma_start3A_36 : memref<912xi32, #tpu.memory_space<hbm>>) target(%arg5 : memref<912xi32, #tpu.memory_space<vmem>>) target_semaphore(%run_scoped3A : memref<!tpu.dma_semaphore, #tpu.memory_space<semaphore_mem>>)
      %dma_wait3A_37 = tpu.memref_slice %arg3[%mul3A_15] : memref<933888xi32, #tpu.memory_space<hbm>> -> memref<912xi32, #tpu.memory_space<hbm>>
      %dma_wait3A_38 = tpu.memref_slice %arg3[%mul3A_15] : memref<933888xi32, #tpu.memory_space<hbm>> -> memref<912xi32, #tpu.memory_space<hbm>>
      tpu.wait_dma2 semaphore(%run_scoped3A : memref<!tpu.dma_semaphore, #tpu.memory_space<semaphore_mem>>) src(%dma_wait3A_38 : memref<912xi32, #tpu.memory_space<hbm>>) dst(%arg5 : memref<912xi32, #tpu.memory_space<vmem>>)
      tpu.yield
    }) : () -> ()
    %scan3A_16 = arith.constant 0 : i32
    %scan3A_17 = arith.constant 0 : i32
    %scan3A_18 = arith.constant 57 : i32
    %scan3A_19 = arith.addi %scan3A_17, %scan3A_18 : i32
    %scan3A_20 = arith.constant 1 : i32
    scf.for %scan3A_36 = %scan3A_17 to %scan3A_19 step %scan3A_20  : i32 {
      %mul3A_37 = arith.constant 16 : i32
      %mul3A_38 = arith.muli %scan3A_36, %mul3A_37 : i32
      %get3A = arith.index_cast %mul3A_38 : i32 to index
      %get3A_39 = tpu.vector_load %arg6[%get3A] {strides = array<i32>} : memref<912xi32, #tpu.memory_space<vmem>>, vector<16xi32>,
      %get3A_40 = vector.shape_cast %get3A_39 : vector<16xi32> to vector<16xi32>
      %get3A_41 = arith.index_cast %mul3A_38 : i32 to index
      %get3A_42 = tpu.vector_load %arg5[%get3A_41] {strides = array<i32>} : memref<912xi32, #tpu.memory_space<vmem>>, vector<16xi32>,
      %get3A_43 = vector.shape_cast %get3A_42 : vector<16xi32> to vector<16xi32>
      %add3A_44 = arith.addi %get3A_40, %get3A_43 : vector<16xi32>
      %swap3A = arith.index_cast %mul3A_38 : i32 to index
      %swap3A_45 = tpu.vector_load %arg7[%swap3A] {strides = array<i32>} : memref<1024xi32, #tpu.memory_space<vmem>>, vector<16xi32>,
      %swap3A_46 = vector.shape_cast %swap3A_45 : vector<16xi32> to vector<16xi32>
      %swap3A_47 = vector.shape_cast %add3A_44 : vector<16xi32> to vector<16xi32>
      tpu.vector_store %arg7[%swap3A], %swap3A_47 {strides = array<i32>} : memref<1024xi32, #tpu.memory_space<vmem>>, vector<16xi32>,
    }
    %scan3A_21 = arith.constant 57 : i32
    %scan3A_22 = arith.constant 0 : i32
    %scan3A_23 = arith.constant 0 : i32
    %scan3A_24 = arith.constant 16 : i32
    %scan3A_25 = arith.addi %scan3A_23, %scan3A_24 : i32
    %scan3A_26 = arith.constant 1 : i32
    scf.for %scan3A_36 = %scan3A_23 to %scan3A_25 step %scan3A_26  : i32 {
      %mul3A_37 = arith.constant 2 : i32
      %mul3A_38 = arith.muli %scan3A_36, %mul3A_37 : i32
      %add3A_39 = arith.constant 0 : i32
      %add3A_40 = arith.addi %mul3A_38, %add3A_39 : i32
      %gt3A = arith.constant 0 : i32
      %gt3A_41 = arith.cmpi sgt, %scan3A_36, %gt3A : i32
      %convert_element_type3A = arith.extui %gt3A_41 : i1 to i32
      %cond3A = arith.constant 0 : i32
      %cond3A_42 = arith.cmpi ne, %convert_element_type3A, %cond3A : i32
      scf.if %cond3A_42 {
        %dma_wait3A_359 = arith.constant 0 : i32
        %dma_wait3A_360 = arith.constant 0 : i32
        %dma_wait3A_361 = arith.constant 0 : i32
        %dma_wait3A_362 = tpu.memref_slice %arg4[%dma_wait3A_359, %dma_wait3A_360, %dma_wait3A_361] : memref<1024x900x128xf32, #tpu.memory_space<hbm>> -> memref<1x900x128xf32, #tpu.memory_space<hbm>>
        %dma_wait3A_363 = tpu.memref_squeeze %dma_wait3A_362 : memref<1x900x128xf32, #tpu.memory_space<hbm>> -> memref<900x128xf32, #tpu.memory_space<hbm>>
        %dma_wait3A_364 = arith.constant 0 : i32
        %dma_wait3A_365 = arith.constant 0 : i32
        %dma_wait3A_366 = tpu.memref_slice %arg4[%dma_wait3A_359, %dma_wait3A_364, %dma_wait3A_365] : memref<1024x900x128xf32, #tpu.memory_space<hbm>> -> memref<1x900x128xf32, #tpu.memory_space<hbm>>
        %dma_wait3A_367 = tpu.memref_squeeze %dma_wait3A_366 : memref<1x900x128xf32, #tpu.memory_space<hbm>> -> memref<900x128xf32, #tpu.memory_space<hbm>>
        tpu.wait_dma2 semaphore(%arg11 : memref<!tpu.dma_semaphore, #tpu.memory_space<semaphore_mem>>) src(%arg9 : memref<900x128xf32, #tpu.memory_space<vmem>>) dst(%dma_wait3A_367 : memref<900x128xf32, #tpu.memory_space<hbm>>)
      } else {
      }
      %dma_start3A = arith.constant 0 : i32
      %dma_start3A_43 = arith.constant 0 : i32
      %dma_start3A_44 = tpu.memref_slice %arg9[%dma_start3A, %dma_start3A_43] : memref<900x128xf32, #tpu.memory_space<vmem>> -> memref<120x128xf32, #tpu.memory_space<vmem>>
      %dma_start3A_45 = arith.constant 0 : i32
      %dma_start3A_46 = tpu.memref_slice %arg7[%dma_start3A_45] : memref<1024xi32, #tpu.memory_space<vmem>> -> memref<120xi32, #tpu.memory_space<vmem>>
      %dma_start3A_47 = arith.constant 0 : i32
      %dma_start3A_48 = arith.constant 0 : i32
      %dma_start3A_49 = tpu.memref_slice %arg2[%dma_start3A_47, %dma_start3A_48] : memref<9000x128xf32, #tpu.memory_space<hbm>> -> memref<9000x128xf32, #tpu.memory_space<hbm>>
      tpu.enqueue_indirect_dma source(%dma_start3A_49 : memref<9000x128xf32, #tpu.memory_space<hbm>>) target(%dma_start3A_44 : memref<120x128xf32, #tpu.memory_space<vmem>>) offsets(%dma_start3A_46 : memref<120xi32, #tpu.memory_space<vmem>>) semaphore(%arg10 : memref<!tpu.dma_semaphore, #tpu.memory_space<semaphore_mem>>)
      %dma_start3A_50 = arith.constant 120 : i32
      %dma_start3A_51 = arith.constant 0 : i32
      %dma_start3A_52 = tpu.memref_slice %arg9[%dma_start3A_50, %dma_start3A_51] : memref<900x128xf32, #tpu.memory_space<vmem>> -> memref<120x128xf32, #tpu.memory_space<vmem>>
      %dma_start3A_53 = arith.constant 120 : i32
      %dma_start3A_54 = tpu.memref_slice %arg7[%dma_start3A_53] : memref<1024xi32, #tpu.memory_space<vmem>> -> memref<120xi32, #tpu.memory_space<vmem>>
      %dma_start3A_55 = arith.constant 0 : i32
      %dma_start3A_56 = arith.constant 0 : i32
      %dma_start3A_57 = tpu.memref_slice %arg2[%dma_start3A_55, %dma_start3A_56] : memref<9000x128xf32, #tpu.memory_space<hbm>> -> memref<9000x128xf32, #tpu.memory_space<hbm>>
      tpu.enqueue_indirect_dma source(%dma_start3A_57 : memref<9000x128xf32, #tpu.memory_space<hbm>>) target(%dma_start3A_52 : memref<120x128xf32, #tpu.memory_space<vmem>>) offsets(%dma_start3A_54 : memref<120xi32, #tpu.memory_space<vmem>>) semaphore(%arg10 : memref<!tpu.dma_semaphore, #tpu.memory_space<semaphore_mem>>)
      %dma_start3A_58 = arith.constant 240 : i32
      %dma_start3A_59 = arith.constant 0 : i32
      %dma_start3A_60 = tpu.memref_slice %arg9[%dma_start3A_58, %dma_start3A_59] : memref<900x128xf32, #tpu.memory_space<vmem>> -> memref<120x128xf32, #tpu.memory_space<vmem>>
      %dma_start3A_61 = arith.constant 240 : i32
      %dma_start3A_62 = tpu.memref_slice %arg7[%dma_start3A_61] : memref<1024xi32, #tpu.memory_space<vmem>> -> memref<120xi32, #tpu.memory_space<vmem>>
      %dma_start3A_63 = arith.constant 0 : i32
      %dma_start3A_64 = arith.constant 0 : i32
      %dma_start3A_65 = tpu.memref_slice %arg2[%dma_start3A_63, %dma_start3A_64] : memref<9000x128xf32, #tpu.memory_space<hbm>> -> memref<9000x128xf32, #tpu.memory_space<hbm>>
      tpu.enqueue_indirect_dma source(%dma_start3A_65 : memref<9000x128xf32, #tpu.memory_space<hbm>>) target(%dma_start3A_60 : memref<120x128xf32, #tpu.memory_space<vmem>>) offsets(%dma_start3A_62 : memref<120xi32, #tpu.memory_space<vmem>>) semaphore(%arg10 : memref<!tpu.dma_semaphore, #tpu.memory_space<semaphore_mem>>)
      %dma_start3A_66 = arith.constant 360 : i32
      %dma_start3A_67 = arith.constant 0 : i32
      %dma_start3A_68 = tpu.memref_slice %arg9[%dma_start3A_66, %dma_start3A_67] : memref<900x128xf32, #tpu.memory_space<vmem>> -> memref<120x128xf32, #tpu.memory_space<vmem>>
      %dma_start3A_69 = arith.constant 360 : i32
      %dma_start3A_70 = tpu.memref_slice %arg7[%dma_start3A_69] : memref<1024xi32, #tpu.memory_space<vmem>> -> memref<120xi32, #tpu.memory_space<vmem>>
      %dma_start3A_71 = arith.constant 0 : i32
      %dma_start3A_72 = arith.constant 0 : i32
      %dma_start3A_73 = tpu.memref_slice %arg2[%dma_start3A_71, %dma_start3A_72] : memref<9000x128xf32, #tpu.memory_space<hbm>> -> memref<9000x128xf32, #tpu.memory_space<hbm>>
      tpu.enqueue_indirect_dma source(%dma_start3A_73 : memref<9000x128xf32, #tpu.memory_space<hbm>>) target(%dma_start3A_68 : memref<120x128xf32, #tpu.memory_space<vmem>>) offsets(%dma_start3A_70 : memref<120xi32, #tpu.memory_space<vmem>>) semaphore(%arg10 : memref<!tpu.dma_semaphore, #tpu.memory_space<semaphore_mem>>)
      %dma_start3A_74 = arith.constant 480 : i32
      %dma_start3A_75 = arith.constant 0 : i32
      %dma_start3A_76 = tpu.memref_slice %arg9[%dma_start3A_74, %dma_start3A_75] : memref<900x128xf32, #tpu.memory_space<vmem>> -> memref<120x128xf32, #tpu.memory_space<vmem>>
      %dma_start3A_77 = arith.constant 480 : i32
      %dma_start3A_78 = tpu.memref_slice %arg7[%dma_start3A_77] : memref<1024xi32, #tpu.memory_space<vmem>> -> memref<120xi32, #tpu.memory_space<vmem>>
      %dma_start3A_79 = arith.constant 0 : i32
      %dma_start3A_80 = arith.constant 0 : i32
      %dma_start3A_81 = tpu.memref_slice %arg2[%dma_start3A_79, %dma_start3A_80] : memref<9000x128xf32, #tpu.memory_space<hbm>> -> memref<9000x128xf32, #tpu.memory_space<hbm>>
      tpu.enqueue_indirect_dma source(%dma_start3A_81 : memref<9000x128xf32, #tpu.memory_space<hbm>>) target(%dma_start3A_76 : memref<120x128xf32, #tpu.memory_space<vmem>>) offsets(%dma_start3A_78 : memref<120xi32, #tpu.memory_space<vmem>>) semaphore(%arg10 : memref<!tpu.dma_semaphore, #tpu.memory_space<semaphore_mem>>)
      %dma_start3A_82 = arith.constant 600 : i32
      %dma_start3A_83 = arith.constant 0 : i32
      %dma_start3A_84 = tpu.memref_slice %arg9[%dma_start3A_82, %dma_start3A_83] : memref<900x128xf32, #tpu.memory_space<vmem>> -> memref<120x128xf32, #tpu.memory_space<vmem>>
      %dma_start3A_85 = arith.constant 600 : i32
      %dma_start3A_86 = tpu.memref_slice %arg7[%dma_start3A_85] : memref<1024xi32, #tpu.memory_space<vmem>> -> memref<120xi32, #tpu.memory_space<vmem>>
      %dma_start3A_87 = arith.constant 0 : i32
      %dma_start3A_88 = arith.constant 0 : i32
      %dma_start3A_89 = tpu.memref_slice %arg2[%dma_start3A_87, %dma_start3A_88] : memref<9000x128xf32, #tpu.memory_space<hbm>> -> memref<9000x128xf32, #tpu.memory_space<hbm>>
      tpu.enqueue_indirect_dma source(%dma_start3A_89 : memref<9000x128xf32, #tpu.memory_space<hbm>>) target(%dma_start3A_84 : memref<120x128xf32, #tpu.memory_space<vmem>>) offsets(%dma_start3A_86 : memref<120xi32, #tpu.memory_space<vmem>>) semaphore(%arg10 : memref<!tpu.dma_semaphore, #tpu.memory_space<semaphore_mem>>)
      %dma_start3A_90 = arith.constant 720 : i32
      %dma_start3A_91 = arith.constant 0 : i32
      %dma_start3A_92 = tpu.memref_slice %arg9[%dma_start3A_90, %dma_start3A_91] : memref<900x128xf32, #tpu.memory_space<vmem>> -> memref<120x128xf32, #tpu.memory_space<vmem>>
      %dma_start3A_93 = arith.constant 720 : i32
      %dma_start3A_94 = tpu.memref_slice %arg7[%dma_start3A_93] : memref<1024xi32, #tpu.memory_space<vmem>> -> memref<120xi32, #tpu.memory_space<vmem>>
      %dma_start3A_95 = arith.constant 0 : i32
      %dma_start3A_96 = arith.constant 0 : i32
      %dma_start3A_97 = tpu.memref_slice %arg2[%dma_start3A_95, %dma_start3A_96] : memref<9000x128xf32, #tpu.memory_space<hbm>> -> memref<9000x128xf32, #tpu.memory_space<hbm>>
      tpu.enqueue_indirect_dma source(%dma_start3A_97 : memref<9000x128xf32, #tpu.memory_space<hbm>>) target(%dma_start3A_92 : memref<120x128xf32, #tpu.memory_space<vmem>>) offsets(%dma_start3A_94 : memref<120xi32, #tpu.memory_space<vmem>>) semaphore(%arg10 : memref<!tpu.dma_semaphore, #tpu.memory_space<semaphore_mem>>)
      %dma_start3A_98 = arith.constant 840 : i32
      %dma_start3A_99 = arith.constant 0 : i32
      %dma_start3A_100 = tpu.memref_slice %arg9[%dma_start3A_98, %dma_start3A_99] : memref<900x128xf32, #tpu.memory_space<vmem>> -> memref<60x128xf32, #tpu.memory_space<vmem>>
      %dma_start3A_101 = arith.constant 840 : i32
      %dma_start3A_102 = tpu.memref_slice %arg7[%dma_start3A_101] : memref<1024xi32, #tpu.memory_space<vmem>> -> memref<60xi32, #tpu.memory_space<vmem>>
      %dma_start3A_103 = arith.constant 0 : i32
      %dma_start3A_104 = arith.constant 0 : i32
      %dma_start3A_105 = tpu.memref_slice %arg2[%dma_start3A_103, %dma_start3A_104] : memref<9000x128xf32, #tpu.memory_space<hbm>> -> memref<9000x128xf32, #tpu.memory_space<hbm>>
      tpu.enqueue_indirect_dma source(%dma_start3A_105 : memref<9000x128xf32, #tpu.memory_space<hbm>>) target(%dma_start3A_100 : memref<60x128xf32, #tpu.memory_space<vmem>>) offsets(%dma_start3A_102 : memref<60xi32, #tpu.memory_space<vmem>>) semaphore(%arg10 : memref<!tpu.dma_semaphore, #tpu.memory_space<semaphore_mem>>)
      %add3A_106 = arith.constant 1 : i32
      %add3A_107 = arith.addi %add3A_40, %add3A_106 : i32
      %mul3A_108 = arith.constant 2 : i32
      %mul3A_109 = arith.muli %mul3A_108, %arg1 : i32
      %add3A_110 = arith.addi %add3A_107, %mul3A_109 : i32
      %rem3A_111 = arith.constant 32 : i32
      %rem3A_112 = arith.remsi %add3A_110, %rem3A_111 : i32
      %add3A_113 = arith.addi %mul3A_2, %rem3A_112 : i32
      %mul3A_114 = arith.constant 912 : i32
      %mul3A_115 = arith.muli %add3A_113, %mul3A_114 : i32
      "tpu.region"() ({
        %run_scoped3A = tpu.sem_alloc : memref<!tpu.dma_semaphore, #tpu.memory_space<semaphore_mem>>
        %dma_start3A_359 = tpu.memref_slice %arg3[%mul3A_115] : memref<933888xi32, #tpu.memory_space<hbm>> -> memref<912xi32, #tpu.memory_space<hbm>>
        %dma_start3A_360 = tpu.memref_slice %arg3[%mul3A_115] : memref<933888xi32, #tpu.memory_space<hbm>> -> memref<912xi32, #tpu.memory_space<hbm>>
        tpu.enqueue_dma source(%dma_start3A_360 : memref<912xi32, #tpu.memory_space<hbm>>) target(%arg5 : memref<912xi32, #tpu.memory_space<vmem>>) target_semaphore(%run_scoped3A : memref<!tpu.dma_semaphore, #tpu.memory_space<semaphore_mem>>)
        %dma_wait3A_361 = tpu.memref_slice %arg3[%mul3A_115] : memref<933888xi32, #tpu.memory_space<hbm>> -> memref<912xi32, #tpu.memory_space<hbm>>
        %dma_wait3A_362 = tpu.memref_slice %arg3[%mul3A_115] : memref<933888xi32, #tpu.memory_space<hbm>> -> memref<912xi32, #tpu.memory_space<hbm>>
        tpu.wait_dma2 semaphore(%run_scoped3A : memref<!tpu.dma_semaphore, #tpu.memory_space<semaphore_mem>>) src(%dma_wait3A_362 : memref<912xi32, #tpu.memory_space<hbm>>) dst(%arg5 : memref<912xi32, #tpu.memory_space<vmem>>)
        tpu.yield
      }) : () -> ()
      %scan3A_116 = arith.constant 0 : i32
      %scan3A_117 = arith.constant 0 : i32
      %scan3A_118 = arith.constant 57 : i32
      %scan3A_119 = arith.addi %scan3A_117, %scan3A_118 : i32
      %scan3A_120 = arith.constant 1 : i32
      scf.for %scan3A_359 = %scan3A_117 to %scan3A_119 step %scan3A_120  : i32 {
        %mul3A_360 = arith.constant 16 : i32
        %mul3A_361 = arith.muli %scan3A_359, %mul3A_360 : i32
        %get3A = arith.index_cast %mul3A_361 : i32 to index
        %get3A_362 = tpu.vector_load %arg6[%get3A] {strides = array<i32>} : memref<912xi32, #tpu.memory_space<vmem>>, vector<16xi32>,
        %get3A_363 = vector.shape_cast %get3A_362 : vector<16xi32> to vector<16xi32>
        %get3A_364 = arith.index_cast %mul3A_361 : i32 to index
        %get3A_365 = tpu.vector_load %arg5[%get3A_364] {strides = array<i32>} : memref<912xi32, #tpu.memory_space<vmem>>, vector<16xi32>,
        %get3A_366 = vector.shape_cast %get3A_365 : vector<16xi32> to vector<16xi32>
        %add3A_367 = arith.addi %get3A_363, %get3A_366 : vector<16xi32>
        %swap3A = arith.index_cast %mul3A_361 : i32 to index
        %swap3A_368 = tpu.vector_load %arg8[%swap3A] {strides = array<i32>} : memref<1024xi32, #tpu.memory_space<vmem>>, vector<16xi32>,
        %swap3A_369 = vector.shape_cast %swap3A_368 : vector<16xi32> to vector<16xi32>
        %swap3A_370 = vector.shape_cast %add3A_367 : vector<16xi32> to vector<16xi32>
        tpu.vector_store %arg8[%swap3A], %swap3A_370 {strides = array<i32>} : memref<1024xi32, #tpu.memory_space<vmem>>, vector<16xi32>,
      }
      %scan3A_121 = arith.constant 57 : i32
      %dma_wait3A_122 = arith.constant 0 : i32
      %dma_wait3A_123 = arith.constant 0 : i32
      %dma_wait3A_124 = tpu.memref_slice %arg9[%dma_wait3A_122, %dma_wait3A_123] : memref<900x128xf32, #tpu.memory_space<vmem>> -> memref<120x128xf32, #tpu.memory_space<vmem>>
      %dma_wait3A_125 = arith.constant 0 : i32
      %dma_wait3A_126 = tpu.memref_slice %arg7[%dma_wait3A_125] : memref<1024xi32, #tpu.memory_space<vmem>> -> memref<120xi32, #tpu.memory_space<vmem>>
      %dma_wait3A_127 = arith.constant 0 : i32
      %dma_wait3A_128 = arith.constant 0 : i32
      %dma_wait3A_129 = tpu.memref_slice %arg2[%dma_wait3A_127, %dma_wait3A_128] : memref<9000x128xf32, #tpu.memory_space<hbm>> -> memref<9000x128xf32, #tpu.memory_space<hbm>>
      tpu.wait_indirect_dma semaphore(%arg10 : memref<!tpu.dma_semaphore, #tpu.memory_space<semaphore_mem>>) src(%dma_wait3A_129 : memref<9000x128xf32, #tpu.memory_space<hbm>>) dst(%dma_wait3A_124 : memref<120x128xf32, #tpu.memory_space<vmem>>)
      %dma_wait3A_130 = arith.constant 120 : i32
      %dma_wait3A_131 = arith.constant 0 : i32
      %dma_wait3A_132 = tpu.memref_slice %arg9[%dma_wait3A_130, %dma_wait3A_131] : memref<900x128xf32, #tpu.memory_space<vmem>> -> memref<120x128xf32, #tpu.memory_space<vmem>>
      %dma_wait3A_133 = arith.constant 120 : i32
      %dma_wait3A_134 = tpu.memref_slice %arg7[%dma_wait3A_133] : memref<1024xi32, #tpu.memory_space<vmem>> -> memref<120xi32, #tpu.memory_space<vmem>>
      %dma_wait3A_135 = arith.constant 0 : i32
      %dma_wait3A_136 = arith.constant 0 : i32
      %dma_wait3A_137 = tpu.memref_slice %arg2[%dma_wait3A_135, %dma_wait3A_136] : memref<9000x128xf32, #tpu.memory_space<hbm>> -> memref<9000x128xf32, #tpu.memory_space<hbm>>
      tpu.wait_indirect_dma semaphore(%arg10 : memref<!tpu.dma_semaphore, #tpu.memory_space<semaphore_mem>>) src(%dma_wait3A_137 : memref<9000x128xf32, #tpu.memory_space<hbm>>) dst(%dma_wait3A_132 : memref<120x128xf32, #tpu.memory_space<vmem>>)
      %dma_wait3A_138 = arith.constant 240 : i32
      %dma_wait3A_139 = arith.constant 0 : i32
      %dma_wait3A_140 = tpu.memref_slice %arg9[%dma_wait3A_138, %dma_wait3A_139] : memref<900x128xf32, #tpu.memory_space<vmem>> -> memref<120x128xf32, #tpu.memory_space<vmem>>
      %dma_wait3A_141 = arith.constant 240 : i32
      %dma_wait3A_142 = tpu.memref_slice %arg7[%dma_wait3A_141] : memref<1024xi32, #tpu.memory_space<vmem>> -> memref<120xi32, #tpu.memory_space<vmem>>
      %dma_wait3A_143 = arith.constant 0 : i32
      %dma_wait3A_144 = arith.constant 0 : i32
      %dma_wait3A_145 = tpu.memref_slice %arg2[%dma_wait3A_143, %dma_wait3A_144] : memref<9000x128xf32, #tpu.memory_space<hbm>> -> memref<9000x128xf32, #tpu.memory_space<hbm>>
      tpu.wait_indirect_dma semaphore(%arg10 : memref<!tpu.dma_semaphore, #tpu.memory_space<semaphore_mem>>) src(%dma_wait3A_145 : memref<9000x128xf32, #tpu.memory_space<hbm>>) dst(%dma_wait3A_140 : memref<120x128xf32, #tpu.memory_space<vmem>>)
      %dma_wait3A_146 = arith.constant 360 : i32
      %dma_wait3A_147 = arith.constant 0 : i32
      %dma_wait3A_148 = tpu.memref_slice %arg9[%dma_wait3A_146, %dma_wait3A_147] : memref<900x128xf32, #tpu.memory_space<vmem>> -> memref<120x128xf32, #tpu.memory_space<vmem>>
      %dma_wait3A_149 = arith.constant 360 : i32
      %dma_wait3A_150 = tpu.memref_slice %arg7[%dma_wait3A_149] : memref<1024xi32, #tpu.memory_space<vmem>> -> memref<120xi32, #tpu.memory_space<vmem>>
      %dma_wait3A_151 = arith.constant 0 : i32
      %dma_wait3A_152 = arith.constant 0 : i32
      %dma_wait3A_153 = tpu.memref_slice %arg2[%dma_wait3A_151, %dma_wait3A_152] : memref<9000x128xf32, #tpu.memory_space<hbm>> -> memref<9000x128xf32, #tpu.memory_space<hbm>>
      tpu.wait_indirect_dma semaphore(%arg10 : memref<!tpu.dma_semaphore, #tpu.memory_space<semaphore_mem>>) src(%dma_wait3A_153 : memref<9000x128xf32, #tpu.memory_space<hbm>>) dst(%dma_wait3A_148 : memref<120x128xf32, #tpu.memory_space<vmem>>)
      %dma_wait3A_154 = arith.constant 480 : i32
      %dma_wait3A_155 = arith.constant 0 : i32
      %dma_wait3A_156 = tpu.memref_slice %arg9[%dma_wait3A_154, %dma_wait3A_155] : memref<900x128xf32, #tpu.memory_space<vmem>> -> memref<120x128xf32, #tpu.memory_space<vmem>>
      %dma_wait3A_157 = arith.constant 480 : i32
      %dma_wait3A_158 = tpu.memref_slice %arg7[%dma_wait3A_157] : memref<1024xi32, #tpu.memory_space<vmem>> -> memref<120xi32, #tpu.memory_space<vmem>>
      %dma_wait3A_159 = arith.constant 0 : i32
      %dma_wait3A_160 = arith.constant 0 : i32
      %dma_wait3A_161 = tpu.memref_slice %arg2[%dma_wait3A_159, %dma_wait3A_160] : memref<9000x128xf32, #tpu.memory_space<hbm>> -> memref<9000x128xf32, #tpu.memory_space<hbm>>
      tpu.wait_indirect_dma semaphore(%arg10 : memref<!tpu.dma_semaphore, #tpu.memory_space<semaphore_mem>>) src(%dma_wait3A_161 : memref<9000x128xf32, #tpu.memory_space<hbm>>) dst(%dma_wait3A_156 : memref<120x128xf32, #tpu.memory_space<vmem>>)
      %dma_wait3A_162 = arith.constant 600 : i32
      %dma_wait3A_163 = arith.constant 0 : i32
      %dma_wait3A_164 = tpu.memref_slice %arg9[%dma_wait3A_162, %dma_wait3A_163] : memref<900x128xf32, #tpu.memory_space<vmem>> -> memref<120x128xf32, #tpu.memory_space<vmem>>
      %dma_wait3A_165 = arith.constant 600 : i32
      %dma_wait3A_166 = tpu.memref_slice %arg7[%dma_wait3A_165] : memref<1024xi32, #tpu.memory_space<vmem>> -> memref<120xi32, #tpu.memory_space<vmem>>
      %dma_wait3A_167 = arith.constant 0 : i32
      %dma_wait3A_168 = arith.constant 0 : i32
      %dma_wait3A_169 = tpu.memref_slice %arg2[%dma_wait3A_167, %dma_wait3A_168] : memref<9000x128xf32, #tpu.memory_space<hbm>> -> memref<9000x128xf32, #tpu.memory_space<hbm>>
      tpu.wait_indirect_dma semaphore(%arg10 : memref<!tpu.dma_semaphore, #tpu.memory_space<semaphore_mem>>) src(%dma_wait3A_169 : memref<9000x128xf32, #tpu.memory_space<hbm>>) dst(%dma_wait3A_164 : memref<120x128xf32, #tpu.memory_space<vmem>>)
      %dma_wait3A_170 = arith.constant 720 : i32
      %dma_wait3A_171 = arith.constant 0 : i32
      %dma_wait3A_172 = tpu.memref_slice %arg9[%dma_wait3A_170, %dma_wait3A_171] : memref<900x128xf32, #tpu.memory_space<vmem>> -> memref<120x128xf32, #tpu.memory_space<vmem>>
      %dma_wait3A_173 = arith.constant 720 : i32
      %dma_wait3A_174 = tpu.memref_slice %arg7[%dma_wait3A_173] : memref<1024xi32, #tpu.memory_space<vmem>> -> memref<120xi32, #tpu.memory_space<vmem>>
      %dma_wait3A_175 = arith.constant 0 : i32
      %dma_wait3A_176 = arith.constant 0 : i32
      %dma_wait3A_177 = tpu.memref_slice %arg2[%dma_wait3A_175, %dma_wait3A_176] : memref<9000x128xf32, #tpu.memory_space<hbm>> -> memref<9000x128xf32, #tpu.memory_space<hbm>>
      tpu.wait_indirect_dma semaphore(%arg10 : memref<!tpu.dma_semaphore, #tpu.memory_space<semaphore_mem>>) src(%dma_wait3A_177 : memref<9000x128xf32, #tpu.memory_space<hbm>>) dst(%dma_wait3A_172 : memref<120x128xf32, #tpu.memory_space<vmem>>)
      %dma_wait3A_178 = arith.constant 840 : i32
      %dma_wait3A_179 = arith.constant 0 : i32
      %dma_wait3A_180 = tpu.memref_slice %arg9[%dma_wait3A_178, %dma_wait3A_179] : memref<900x128xf32, #tpu.memory_space<vmem>> -> memref<60x128xf32, #tpu.memory_space<vmem>>
      %dma_wait3A_181 = arith.constant 840 : i32
      %dma_wait3A_182 = tpu.memref_slice %arg7[%dma_wait3A_181] : memref<1024xi32, #tpu.memory_space<vmem>> -> memref<60xi32, #tpu.memory_space<vmem>>
      %dma_wait3A_183 = arith.constant 0 : i32
      %dma_wait3A_184 = arith.constant 0 : i32
      %dma_wait3A_185 = tpu.memref_slice %arg2[%dma_wait3A_183, %dma_wait3A_184] : memref<9000x128xf32, #tpu.memory_space<hbm>> -> memref<9000x128xf32, #tpu.memory_space<hbm>>
      tpu.wait_indirect_dma semaphore(%arg10 : memref<!tpu.dma_semaphore, #tpu.memory_space<semaphore_mem>>) src(%dma_wait3A_185 : memref<9000x128xf32, #tpu.memory_space<hbm>>) dst(%dma_wait3A_180 : memref<60x128xf32, #tpu.memory_space<vmem>>)
      %mul3A_186 = arith.constant 2 : i32
      %mul3A_187 = arith.muli %mul3A_186, %arg1 : i32
      %add3A_188 = arith.addi %add3A_40, %mul3A_187 : i32
      %rem3A_189 = arith.constant 32 : i32
      %rem3A_190 = arith.remsi %add3A_188, %rem3A_189 : i32
      %add3A_191 = arith.addi %mul3A_2, %rem3A_190 : i32
      %dma_start3A_192 = arith.constant 0 : i32
      %dma_start3A_193 = arith.constant 0 : i32
      %dma_start3A_194 = tpu.memref_slice %arg4[%add3A_191, %dma_start3A_192, %dma_start3A_193] : memref<1024x900x128xf32, #tpu.memory_space<hbm>> -> memref<1x900x128xf32, #tpu.memory_space<hbm>>
      %dma_start3A_195 = tpu.memref_squeeze %dma_start3A_194 : memref<1x900x128xf32, #tpu.memory_space<hbm>> -> memref<900x128xf32, #tpu.memory_space<hbm>>
      %dma_start3A_196 = arith.constant 0 : i32
      %dma_start3A_197 = arith.constant 0 : i32
      %dma_start3A_198 = tpu.memref_slice %arg4[%add3A_191, %dma_start3A_196, %dma_start3A_197] : memref<1024x900x128xf32, #tpu.memory_space<hbm>> -> memref<1x900x128xf32, #tpu.memory_space<hbm>>
      %dma_start3A_199 = tpu.memref_squeeze %dma_start3A_198 : memref<1x900x128xf32, #tpu.memory_space<hbm>> -> memref<900x128xf32, #tpu.memory_space<hbm>>
      tpu.enqueue_dma source(%arg9 : memref<900x128xf32, #tpu.memory_space<vmem>>) target(%dma_start3A_199 : memref<900x128xf32, #tpu.memory_space<hbm>>) target_semaphore(%arg11 : memref<!tpu.dma_semaphore, #tpu.memory_space<semaphore_mem>>)
      %mul3A_200 = arith.constant 2 : i32
      %mul3A_201 = arith.muli %scan3A_36, %mul3A_200 : i32
      %add3A_202 = arith.constant 1 : i32
      %add3A_203 = arith.addi %mul3A_201, %add3A_202 : i32
      %dma_wait3A_204 = arith.constant 0 : i32
      %dma_wait3A_205 = arith.constant 0 : i32
      %dma_wait3A_206 = arith.constant 0 : i32
      %dma_wait3A_207 = tpu.memref_slice %arg4[%dma_wait3A_204, %dma_wait3A_205, %dma_wait3A_206] : memref<1024x900x128xf32, #tpu.memory_space<hbm>> -> memref<1x900x128xf32, #tpu.memory_space<hbm>>
      %dma_wait3A_208 = tpu.memref_squeeze %dma_wait3A_207 : memref<1x900x128xf32, #tpu.memory_space<hbm>> -> memref<900x128xf32, #tpu.memory_space<hbm>>
      %dma_wait3A_209 = arith.constant 0 : i32
      %dma_wait3A_210 = arith.constant 0 : i32
      %dma_wait3A_211 = tpu.memref_slice %arg4[%dma_wait3A_204, %dma_wait3A_209, %dma_wait3A_210] : memref<1024x900x128xf32, #tpu.memory_space<hbm>> -> memref<1x900x128xf32, #tpu.memory_space<hbm>>
      %dma_wait3A_212 = tpu.memref_squeeze %dma_wait3A_211 : memref<1x900x128xf32, #tpu.memory_space<hbm>> -> memref<900x128xf32, #tpu.memory_space<hbm>>
      tpu.wait_dma2 semaphore(%arg11 : memref<!tpu.dma_semaphore, #tpu.memory_space<semaphore_mem>>) src(%arg9 : memref<900x128xf32, #tpu.memory_space<vmem>>) dst(%dma_wait3A_212 : memref<900x128xf32, #tpu.memory_space<hbm>>)
      %dma_start3A_213 = arith.constant 0 : i32
      %dma_start3A_214 = arith.constant 0 : i32
      %dma_start3A_215 = tpu.memref_slice %arg9[%dma_start3A_213, %dma_start3A_214] : memref<900x128xf32, #tpu.memory_space<vmem>> -> memref<120x128xf32, #tpu.memory_space<vmem>>
      %dma_start3A_216 = arith.constant 0 : i32
      %dma_start3A_217 = tpu.memref_slice %arg8[%dma_start3A_216] : memref<1024xi32, #tpu.memory_space<vmem>> -> memref<120xi32, #tpu.memory_space<vmem>>
      %dma_start3A_218 = arith.constant 0 : i32
      %dma_start3A_219 = arith.constant 0 : i32
      %dma_start3A_220 = tpu.memref_slice %arg2[%dma_start3A_218, %dma_start3A_219] : memref<9000x128xf32, #tpu.memory_space<hbm>> -> memref<9000x128xf32, #tpu.memory_space<hbm>>
      tpu.enqueue_indirect_dma source(%dma_start3A_220 : memref<9000x128xf32, #tpu.memory_space<hbm>>) target(%dma_start3A_215 : memref<120x128xf32, #tpu.memory_space<vmem>>) offsets(%dma_start3A_217 : memref<120xi32, #tpu.memory_space<vmem>>) semaphore(%arg10 : memref<!tpu.dma_semaphore, #tpu.memory_space<semaphore_mem>>)
      %dma_start3A_221 = arith.constant 120 : i32
      %dma_start3A_222 = arith.constant 0 : i32
      %dma_start3A_223 = tpu.memref_slice %arg9[%dma_start3A_221, %dma_start3A_222] : memref<900x128xf32, #tpu.memory_space<vmem>> -> memref<120x128xf32, #tpu.memory_space<vmem>>
      %dma_start3A_224 = arith.constant 120 : i32
      %dma_start3A_225 = tpu.memref_slice %arg8[%dma_start3A_224] : memref<1024xi32, #tpu.memory_space<vmem>> -> memref<120xi32, #tpu.memory_space<vmem>>
      %dma_start3A_226 = arith.constant 0 : i32
      %dma_start3A_227 = arith.constant 0 : i32
      %dma_start3A_228 = tpu.memref_slice %arg2[%dma_start3A_226, %dma_start3A_227] : memref<9000x128xf32, #tpu.memory_space<hbm>> -> memref<9000x128xf32, #tpu.memory_space<hbm>>
      tpu.enqueue_indirect_dma source(%dma_start3A_228 : memref<9000x128xf32, #tpu.memory_space<hbm>>) target(%dma_start3A_223 : memref<120x128xf32, #tpu.memory_space<vmem>>) offsets(%dma_start3A_225 : memref<120xi32, #tpu.memory_space<vmem>>) semaphore(%arg10 : memref<!tpu.dma_semaphore, #tpu.memory_space<semaphore_mem>>)
      %dma_start3A_229 = arith.constant 240 : i32
      %dma_start3A_230 = arith.constant 0 : i32
      %dma_start3A_231 = tpu.memref_slice %arg9[%dma_start3A_229, %dma_start3A_230] : memref<900x128xf32, #tpu.memory_space<vmem>> -> memref<120x128xf32, #tpu.memory_space<vmem>>
      %dma_start3A_232 = arith.constant 240 : i32
      %dma_start3A_233 = tpu.memref_slice %arg8[%dma_start3A_232] : memref<1024xi32, #tpu.memory_space<vmem>> -> memref<120xi32, #tpu.memory_space<vmem>>
      %dma_start3A_234 = arith.constant 0 : i32
      %dma_start3A_235 = arith.constant 0 : i32
      %dma_start3A_236 = tpu.memref_slice %arg2[%dma_start3A_234, %dma_start3A_235] : memref<9000x128xf32, #tpu.memory_space<hbm>> -> memref<9000x128xf32, #tpu.memory_space<hbm>>
      tpu.enqueue_indirect_dma source(%dma_start3A_236 : memref<9000x128xf32, #tpu.memory_space<hbm>>) target(%dma_start3A_231 : memref<120x128xf32, #tpu.memory_space<vmem>>) offsets(%dma_start3A_233 : memref<120xi32, #tpu.memory_space<vmem>>) semaphore(%arg10 : memref<!tpu.dma_semaphore, #tpu.memory_space<semaphore_mem>>)
      %dma_start3A_237 = arith.constant 360 : i32
      %dma_start3A_238 = arith.constant 0 : i32
      %dma_start3A_239 = tpu.memref_slice %arg9[%dma_start3A_237, %dma_start3A_238] : memref<900x128xf32, #tpu.memory_space<vmem>> -> memref<120x128xf32, #tpu.memory_space<vmem>>
      %dma_start3A_240 = arith.constant 360 : i32
      %dma_start3A_241 = tpu.memref_slice %arg8[%dma_start3A_240] : memref<1024xi32, #tpu.memory_space<vmem>> -> memref<120xi32, #tpu.memory_space<vmem>>
      %dma_start3A_242 = arith.constant 0 : i32
      %dma_start3A_243 = arith.constant 0 : i32
      %dma_start3A_244 = tpu.memref_slice %arg2[%dma_start3A_242, %dma_start3A_243] : memref<9000x128xf32, #tpu.memory_space<hbm>> -> memref<9000x128xf32, #tpu.memory_space<hbm>>
      tpu.enqueue_indirect_dma source(%dma_start3A_244 : memref<9000x128xf32, #tpu.memory_space<hbm>>) target(%dma_start3A_239 : memref<120x128xf32, #tpu.memory_space<vmem>>) offsets(%dma_start3A_241 : memref<120xi32, #tpu.memory_space<vmem>>) semaphore(%arg10 : memref<!tpu.dma_semaphore, #tpu.memory_space<semaphore_mem>>)
      %dma_start3A_245 = arith.constant 480 : i32
      %dma_start3A_246 = arith.constant 0 : i32
      %dma_start3A_247 = tpu.memref_slice %arg9[%dma_start3A_245, %dma_start3A_246] : memref<900x128xf32, #tpu.memory_space<vmem>> -> memref<120x128xf32, #tpu.memory_space<vmem>>
      %dma_start3A_248 = arith.constant 480 : i32
      %dma_start3A_249 = tpu.memref_slice %arg8[%dma_start3A_248] : memref<1024xi32, #tpu.memory_space<vmem>> -> memref<120xi32, #tpu.memory_space<vmem>>
      %dma_start3A_250 = arith.constant 0 : i32
      %dma_start3A_251 = arith.constant 0 : i32
      %dma_start3A_252 = tpu.memref_slice %arg2[%dma_start3A_250, %dma_start3A_251] : memref<9000x128xf32, #tpu.memory_space<hbm>> -> memref<9000x128xf32, #tpu.memory_space<hbm>>
      tpu.enqueue_indirect_dma source(%dma_start3A_252 : memref<9000x128xf32, #tpu.memory_space<hbm>>) target(%dma_start3A_247 : memref<120x128xf32, #tpu.memory_space<vmem>>) offsets(%dma_start3A_249 : memref<120xi32, #tpu.memory_space<vmem>>) semaphore(%arg10 : memref<!tpu.dma_semaphore, #tpu.memory_space<semaphore_mem>>)
      %dma_start3A_253 = arith.constant 600 : i32
      %dma_start3A_254 = arith.constant 0 : i32
      %dma_start3A_255 = tpu.memref_slice %arg9[%dma_start3A_253, %dma_start3A_254] : memref<900x128xf32, #tpu.memory_space<vmem>> -> memref<120x128xf32, #tpu.memory_space<vmem>>
      %dma_start3A_256 = arith.constant 600 : i32
      %dma_start3A_257 = tpu.memref_slice %arg8[%dma_start3A_256] : memref<1024xi32, #tpu.memory_space<vmem>> -> memref<120xi32, #tpu.memory_space<vmem>>
      %dma_start3A_258 = arith.constant 0 : i32
      %dma_start3A_259 = arith.constant 0 : i32
      %dma_start3A_260 = tpu.memref_slice %arg2[%dma_start3A_258, %dma_start3A_259] : memref<9000x128xf32, #tpu.memory_space<hbm>> -> memref<9000x128xf32, #tpu.memory_space<hbm>>
      tpu.enqueue_indirect_dma source(%dma_start3A_260 : memref<9000x128xf32, #tpu.memory_space<hbm>>) target(%dma_start3A_255 : memref<120x128xf32, #tpu.memory_space<vmem>>) offsets(%dma_start3A_257 : memref<120xi32, #tpu.memory_space<vmem>>) semaphore(%arg10 : memref<!tpu.dma_semaphore, #tpu.memory_space<semaphore_mem>>)
      %dma_start3A_261 = arith.constant 720 : i32
      %dma_start3A_262 = arith.constant 0 : i32
      %dma_start3A_263 = tpu.memref_slice %arg9[%dma_start3A_261, %dma_start3A_262] : memref<900x128xf32, #tpu.memory_space<vmem>> -> memref<120x128xf32, #tpu.memory_space<vmem>>
      %dma_start3A_264 = arith.constant 720 : i32
      %dma_start3A_265 = tpu.memref_slice %arg8[%dma_start3A_264] : memref<1024xi32, #tpu.memory_space<vmem>> -> memref<120xi32, #tpu.memory_space<vmem>>
      %dma_start3A_266 = arith.constant 0 : i32
      %dma_start3A_267 = arith.constant 0 : i32
      %dma_start3A_268 = tpu.memref_slice %arg2[%dma_start3A_266, %dma_start3A_267] : memref<9000x128xf32, #tpu.memory_space<hbm>> -> memref<9000x128xf32, #tpu.memory_space<hbm>>
      tpu.enqueue_indirect_dma source(%dma_start3A_268 : memref<9000x128xf32, #tpu.memory_space<hbm>>) target(%dma_start3A_263 : memref<120x128xf32, #tpu.memory_space<vmem>>) offsets(%dma_start3A_265 : memref<120xi32, #tpu.memory_space<vmem>>) semaphore(%arg10 : memref<!tpu.dma_semaphore, #tpu.memory_space<semaphore_mem>>)
      %dma_start3A_269 = arith.constant 840 : i32
      %dma_start3A_270 = arith.constant 0 : i32
      %dma_start3A_271 = tpu.memref_slice %arg9[%dma_start3A_269, %dma_start3A_270] : memref<900x128xf32, #tpu.memory_space<vmem>> -> memref<60x128xf32, #tpu.memory_space<vmem>>
      %dma_start3A_272 = arith.constant 840 : i32
      %dma_start3A_273 = tpu.memref_slice %arg8[%dma_start3A_272] : memref<1024xi32, #tpu.memory_space<vmem>> -> memref<60xi32, #tpu.memory_space<vmem>>
      %dma_start3A_274 = arith.constant 0 : i32
      %dma_start3A_275 = arith.constant 0 : i32
      %dma_start3A_276 = tpu.memref_slice %arg2[%dma_start3A_274, %dma_start3A_275] : memref<9000x128xf32, #tpu.memory_space<hbm>> -> memref<9000x128xf32, #tpu.memory_space<hbm>>
      tpu.enqueue_indirect_dma source(%dma_start3A_276 : memref<9000x128xf32, #tpu.memory_space<hbm>>) target(%dma_start3A_271 : memref<60x128xf32, #tpu.memory_space<vmem>>) offsets(%dma_start3A_273 : memref<60xi32, #tpu.memory_space<vmem>>) semaphore(%arg10 : memref<!tpu.dma_semaphore, #tpu.memory_space<semaphore_mem>>)
      %lt3A = arith.constant 15 : i32
      %lt3A_277 = arith.cmpi slt, %scan3A_36, %lt3A : i32
      %convert_element_type3A_278 = arith.extui %lt3A_277 : i1 to i32
      %cond3A_279 = arith.constant 0 : i32
      %cond3A_280 = arith.cmpi ne, %convert_element_type3A_278, %cond3A_279 : i32
      scf.if %cond3A_280 {
        %add3A_359 = arith.constant 1 : i32
        %add3A_360 = arith.addi %add3A_203, %add3A_359 : i32
        %mul3A_361 = arith.constant 2 : i32
        %mul3A_362 = arith.muli %mul3A_361, %arg1 : i32
        %add3A_363 = arith.addi %add3A_360, %mul3A_362 : i32
        %rem3A_364 = arith.constant 32 : i32
        %rem3A_365 = arith.remsi %add3A_363, %rem3A_364 : i32
        %add3A_366 = arith.addi %mul3A_2, %rem3A_365 : i32
        %mul3A_367 = arith.constant 912 : i32
        %mul3A_368 = arith.muli %add3A_366, %mul3A_367 : i32
        "tpu.region"() ({
          %run_scoped3A = tpu.sem_alloc : memref<!tpu.dma_semaphore, #tpu.memory_space<semaphore_mem>>
          %dma_start3A_375 = tpu.memref_slice %arg3[%mul3A_368] : memref<933888xi32, #tpu.memory_space<hbm>> -> memref<912xi32, #tpu.memory_space<hbm>>
          %dma_start3A_376 = tpu.memref_slice %arg3[%mul3A_368] : memref<933888xi32, #tpu.memory_space<hbm>> -> memref<912xi32, #tpu.memory_space<hbm>>
          tpu.enqueue_dma source(%dma_start3A_376 : memref<912xi32, #tpu.memory_space<hbm>>) target(%arg5 : memref<912xi32, #tpu.memory_space<vmem>>) target_semaphore(%run_scoped3A : memref<!tpu.dma_semaphore, #tpu.memory_space<semaphore_mem>>)
          %dma_wait3A_377 = tpu.memref_slice %arg3[%mul3A_368] : memref<933888xi32, #tpu.memory_space<hbm>> -> memref<912xi32, #tpu.memory_space<hbm>>
          %dma_wait3A_378 = tpu.memref_slice %arg3[%mul3A_368] : memref<933888xi32, #tpu.memory_space<hbm>> -> memref<912xi32, #tpu.memory_space<hbm>>
          tpu.wait_dma2 semaphore(%run_scoped3A : memref<!tpu.dma_semaphore, #tpu.memory_space<semaphore_mem>>) src(%dma_wait3A_378 : memref<912xi32, #tpu.memory_space<hbm>>) dst(%arg5 : memref<912xi32, #tpu.memory_space<vmem>>)
          tpu.yield
        }) : () -> ()
        %scan3A_369 = arith.constant 0 : i32
        %scan3A_370 = arith.constant 0 : i32
        %scan3A_371 = arith.constant 57 : i32
        %scan3A_372 = arith.addi %scan3A_370, %scan3A_371 : i32
        %scan3A_373 = arith.constant 1 : i32
        scf.for %scan3A_375 = %scan3A_370 to %scan3A_372 step %scan3A_373  : i32 {
          %mul3A_376 = arith.constant 16 : i32
          %mul3A_377 = arith.muli %scan3A_375, %mul3A_376 : i32
          %get3A = arith.index_cast %mul3A_377 : i32 to index
          %get3A_378 = tpu.vector_load %arg6[%get3A] {strides = array<i32>} : memref<912xi32, #tpu.memory_space<vmem>>, vector<16xi32>,
          %get3A_379 = vector.shape_cast %get3A_378 : vector<16xi32> to vector<16xi32>
          %get3A_380 = arith.index_cast %mul3A_377 : i32 to index
          %get3A_381 = tpu.vector_load %arg5[%get3A_380] {strides = array<i32>} : memref<912xi32, #tpu.memory_space<vmem>>, vector<16xi32>,
          %get3A_382 = vector.shape_cast %get3A_381 : vector<16xi32> to vector<16xi32>
          %add3A_383 = arith.addi %get3A_379, %get3A_382 : vector<16xi32>
          %swap3A = arith.index_cast %mul3A_377 : i32 to index
          %swap3A_384 = tpu.vector_load %arg7[%swap3A] {strides = array<i32>} : memref<1024xi32, #tpu.memory_space<vmem>>, vector<16xi32>,
          %swap3A_385 = vector.shape_cast %swap3A_384 : vector<16xi32> to vector<16xi32>
          %swap3A_386 = vector.shape_cast %add3A_383 : vector<16xi32> to vector<16xi32>
          tpu.vector_store %arg7[%swap3A], %swap3A_386 {strides = array<i32>} : memref<1024xi32, #tpu.memory_space<vmem>>, vector<16xi32>,
        }
        %scan3A_374 = arith.constant 57 : i32
      } else {
      }
      %dma_wait3A_281 = arith.constant 0 : i32
      %dma_wait3A_282 = arith.constant 0 : i32
      %dma_wait3A_283 = tpu.memref_slice %arg9[%dma_wait3A_281, %dma_wait3A_282] : memref<900x128xf32, #tpu.memory_space<vmem>> -> memref<120x128xf32, #tpu.memory_space<vmem>>
      %dma_wait3A_284 = arith.constant 0 : i32
      %dma_wait3A_285 = tpu.memref_slice %arg8[%dma_wait3A_284] : memref<1024xi32, #tpu.memory_space<vmem>> -> memref<120xi32, #tpu.memory_space<vmem>>
      %dma_wait3A_286 = arith.constant 0 : i32
      %dma_wait3A_287 = arith.constant 0 : i32
      %dma_wait3A_288 = tpu.memref_slice %arg2[%dma_wait3A_286, %dma_wait3A_287] : memref<9000x128xf32, #tpu.memory_space<hbm>> -> memref<9000x128xf32, #tpu.memory_space<hbm>>
      tpu.wait_indirect_dma semaphore(%arg10 : memref<!tpu.dma_semaphore, #tpu.memory_space<semaphore_mem>>) src(%dma_wait3A_288 : memref<9000x128xf32, #tpu.memory_space<hbm>>) dst(%dma_wait3A_283 : memref<120x128xf32, #tpu.memory_space<vmem>>)
      %dma_wait3A_289 = arith.constant 120 : i32
      %dma_wait3A_290 = arith.constant 0 : i32
      %dma_wait3A_291 = tpu.memref_slice %arg9[%dma_wait3A_289, %dma_wait3A_290] : memref<900x128xf32, #tpu.memory_space<vmem>> -> memref<120x128xf32, #tpu.memory_space<vmem>>
      %dma_wait3A_292 = arith.constant 120 : i32
      %dma_wait3A_293 = tpu.memref_slice %arg8[%dma_wait3A_292] : memref<1024xi32, #tpu.memory_space<vmem>> -> memref<120xi32, #tpu.memory_space<vmem>>
      %dma_wait3A_294 = arith.constant 0 : i32
      %dma_wait3A_295 = arith.constant 0 : i32
      %dma_wait3A_296 = tpu.memref_slice %arg2[%dma_wait3A_294, %dma_wait3A_295] : memref<9000x128xf32, #tpu.memory_space<hbm>> -> memref<9000x128xf32, #tpu.memory_space<hbm>>
      tpu.wait_indirect_dma semaphore(%arg10 : memref<!tpu.dma_semaphore, #tpu.memory_space<semaphore_mem>>) src(%dma_wait3A_296 : memref<9000x128xf32, #tpu.memory_space<hbm>>) dst(%dma_wait3A_291 : memref<120x128xf32, #tpu.memory_space<vmem>>)
      %dma_wait3A_297 = arith.constant 240 : i32
      %dma_wait3A_298 = arith.constant 0 : i32
      %dma_wait3A_299 = tpu.memref_slice %arg9[%dma_wait3A_297, %dma_wait3A_298] : memref<900x128xf32, #tpu.memory_space<vmem>> -> memref<120x128xf32, #tpu.memory_space<vmem>>
      %dma_wait3A_300 = arith.constant 240 : i32
      %dma_wait3A_301 = tpu.memref_slice %arg8[%dma_wait3A_300] : memref<1024xi32, #tpu.memory_space<vmem>> -> memref<120xi32, #tpu.memory_space<vmem>>
      %dma_wait3A_302 = arith.constant 0 : i32
      %dma_wait3A_303 = arith.constant 0 : i32
      %dma_wait3A_304 = tpu.memref_slice %arg2[%dma_wait3A_302, %dma_wait3A_303] : memref<9000x128xf32, #tpu.memory_space<hbm>> -> memref<9000x128xf32, #tpu.memory_space<hbm>>
      tpu.wait_indirect_dma semaphore(%arg10 : memref<!tpu.dma_semaphore, #tpu.memory_space<semaphore_mem>>) src(%dma_wait3A_304 : memref<9000x128xf32, #tpu.memory_space<hbm>>) dst(%dma_wait3A_299 : memref<120x128xf32, #tpu.memory_space<vmem>>)
      %dma_wait3A_305 = arith.constant 360 : i32
      %dma_wait3A_306 = arith.constant 0 : i32
      %dma_wait3A_307 = tpu.memref_slice %arg9[%dma_wait3A_305, %dma_wait3A_306] : memref<900x128xf32, #tpu.memory_space<vmem>> -> memref<120x128xf32, #tpu.memory_space<vmem>>
      %dma_wait3A_308 = arith.constant 360 : i32
      %dma_wait3A_309 = tpu.memref_slice %arg8[%dma_wait3A_308] : memref<1024xi32, #tpu.memory_space<vmem>> -> memref<120xi32, #tpu.memory_space<vmem>>
      %dma_wait3A_310 = arith.constant 0 : i32
      %dma_wait3A_311 = arith.constant 0 : i32
      %dma_wait3A_312 = tpu.memref_slice %arg2[%dma_wait3A_310, %dma_wait3A_311] : memref<9000x128xf32, #tpu.memory_space<hbm>> -> memref<9000x128xf32, #tpu.memory_space<hbm>>
      tpu.wait_indirect_dma semaphore(%arg10 : memref<!tpu.dma_semaphore, #tpu.memory_space<semaphore_mem>>) src(%dma_wait3A_312 : memref<9000x128xf32, #tpu.memory_space<hbm>>) dst(%dma_wait3A_307 : memref<120x128xf32, #tpu.memory_space<vmem>>)
      %dma_wait3A_313 = arith.constant 480 : i32
      %dma_wait3A_314 = arith.constant 0 : i32
      %dma_wait3A_315 = tpu.memref_slice %arg9[%dma_wait3A_313, %dma_wait3A_314] : memref<900x128xf32, #tpu.memory_space<vmem>> -> memref<120x128xf32, #tpu.memory_space<vmem>>
      %dma_wait3A_316 = arith.constant 480 : i32
      %dma_wait3A_317 = tpu.memref_slice %arg8[%dma_wait3A_316] : memref<1024xi32, #tpu.memory_space<vmem>> -> memref<120xi32, #tpu.memory_space<vmem>>
      %dma_wait3A_318 = arith.constant 0 : i32
      %dma_wait3A_319 = arith.constant 0 : i32
      %dma_wait3A_320 = tpu.memref_slice %arg2[%dma_wait3A_318, %dma_wait3A_319] : memref<9000x128xf32, #tpu.memory_space<hbm>> -> memref<9000x128xf32, #tpu.memory_space<hbm>>
      tpu.wait_indirect_dma semaphore(%arg10 : memref<!tpu.dma_semaphore, #tpu.memory_space<semaphore_mem>>) src(%dma_wait3A_320 : memref<9000x128xf32, #tpu.memory_space<hbm>>) dst(%dma_wait3A_315 : memref<120x128xf32, #tpu.memory_space<vmem>>)
      %dma_wait3A_321 = arith.constant 600 : i32
      %dma_wait3A_322 = arith.constant 0 : i32
      %dma_wait3A_323 = tpu.memref_slice %arg9[%dma_wait3A_321, %dma_wait3A_322] : memref<900x128xf32, #tpu.memory_space<vmem>> -> memref<120x128xf32, #tpu.memory_space<vmem>>
      %dma_wait3A_324 = arith.constant 600 : i32
      %dma_wait3A_325 = tpu.memref_slice %arg8[%dma_wait3A_324] : memref<1024xi32, #tpu.memory_space<vmem>> -> memref<120xi32, #tpu.memory_space<vmem>>
      %dma_wait3A_326 = arith.constant 0 : i32
      %dma_wait3A_327 = arith.constant 0 : i32
      %dma_wait3A_328 = tpu.memref_slice %arg2[%dma_wait3A_326, %dma_wait3A_327] : memref<9000x128xf32, #tpu.memory_space<hbm>> -> memref<9000x128xf32, #tpu.memory_space<hbm>>
      tpu.wait_indirect_dma semaphore(%arg10 : memref<!tpu.dma_semaphore, #tpu.memory_space<semaphore_mem>>) src(%dma_wait3A_328 : memref<9000x128xf32, #tpu.memory_space<hbm>>) dst(%dma_wait3A_323 : memref<120x128xf32, #tpu.memory_space<vmem>>)
      %dma_wait3A_329 = arith.constant 720 : i32
      %dma_wait3A_330 = arith.constant 0 : i32
      %dma_wait3A_331 = tpu.memref_slice %arg9[%dma_wait3A_329, %dma_wait3A_330] : memref<900x128xf32, #tpu.memory_space<vmem>> -> memref<120x128xf32, #tpu.memory_space<vmem>>
      %dma_wait3A_332 = arith.constant 720 : i32
      %dma_wait3A_333 = tpu.memref_slice %arg8[%dma_wait3A_332] : memref<1024xi32, #tpu.memory_space<vmem>> -> memref<120xi32, #tpu.memory_space<vmem>>
      %dma_wait3A_334 = arith.constant 0 : i32
      %dma_wait3A_335 = arith.constant 0 : i32
      %dma_wait3A_336 = tpu.memref_slice %arg2[%dma_wait3A_334, %dma_wait3A_335] : memref<9000x128xf32, #tpu.memory_space<hbm>> -> memref<9000x128xf32, #tpu.memory_space<hbm>>
      tpu.wait_indirect_dma semaphore(%arg10 : memref<!tpu.dma_semaphore, #tpu.memory_space<semaphore_mem>>) src(%dma_wait3A_336 : memref<9000x128xf32, #tpu.memory_space<hbm>>) dst(%dma_wait3A_331 : memref<120x128xf32, #tpu.memory_space<vmem>>)
      %dma_wait3A_337 = arith.constant 840 : i32
      %dma_wait3A_338 = arith.constant 0 : i32
      %dma_wait3A_339 = tpu.memref_slice %arg9[%dma_wait3A_337, %dma_wait3A_338] : memref<900x128xf32, #tpu.memory_space<vmem>> -> memref<60x128xf32, #tpu.memory_space<vmem>>
      %dma_wait3A_340 = arith.constant 840 : i32
      %dma_wait3A_341 = tpu.memref_slice %arg8[%dma_wait3A_340] : memref<1024xi32, #tpu.memory_space<vmem>> -> memref<60xi32, #tpu.memory_space<vmem>>
      %dma_wait3A_342 = arith.constant 0 : i32
      %dma_wait3A_343 = arith.constant 0 : i32
      %dma_wait3A_344 = tpu.memref_slice %arg2[%dma_wait3A_342, %dma_wait3A_343] : memref<9000x128xf32, #tpu.memory_space<hbm>> -> memref<9000x128xf32, #tpu.memory_space<hbm>>
      tpu.wait_indirect_dma semaphore(%arg10 : memref<!tpu.dma_semaphore, #tpu.memory_space<semaphore_mem>>) src(%dma_wait3A_344 : memref<9000x128xf32, #tpu.memory_space<hbm>>) dst(%dma_wait3A_339 : memref<60x128xf32, #tpu.memory_space<vmem>>)
      %mul3A_345 = arith.constant 2 : i32
      %mul3A_346 = arith.muli %mul3A_345, %arg1 : i32
      %add3A_347 = arith.addi %add3A_203, %mul3A_346 : i32
      %rem3A_348 = arith.constant 32 : i32
      %rem3A_349 = arith.remsi %add3A_347, %rem3A_348 : i32
      %add3A_350 = arith.addi %mul3A_2, %rem3A_349 : i32
      %dma_start3A_351 = arith.constant 0 : i32
      %dma_start3A_352 = arith.constant 0 : i32
      %dma_start3A_353 = tpu.memref_slice %arg4[%add3A_350, %dma_start3A_351, %dma_start3A_352] : memref<1024x900x128xf32, #tpu.memory_space<hbm>> -> memref<1x900x128xf32, #tpu.memory_space<hbm>>
      %dma_start3A_354 = tpu.memref_squeeze %dma_start3A_353 : memref<1x900x128xf32, #tpu.memory_space<hbm>> -> memref<900x128xf32, #tpu.memory_space<hbm>>
      %dma_start3A_355 = arith.constant 0 : i32
      %dma_start3A_356 = arith.constant 0 : i32
      %dma_start3A_357 = tpu.memref_slice %arg4[%add3A_350, %dma_start3A_355, %dma_start3A_356] : memref<1024x900x128xf32, #tpu.memory_space<hbm>> -> memref<1x900x128xf32, #tpu.memory_space<hbm>>
      %dma_start3A_358 = tpu.memref_squeeze %dma_start3A_357 : memref<1x900x128xf32, #tpu.memory_space<hbm>> -> memref<900x128xf32, #tpu.memory_space<hbm>>
      tpu.enqueue_dma source(%arg9 : memref<900x128xf32, #tpu.memory_space<vmem>>) target(%dma_start3A_358 : memref<900x128xf32, #tpu.memory_space<hbm>>) target_semaphore(%arg11 : memref<!tpu.dma_semaphore, #tpu.memory_space<semaphore_mem>>)
    }
    %scan3A_27 = arith.constant 16 : i32
    %dma_wait3A = arith.constant 0 : i32
    %dma_wait3A_28 = arith.constant 0 : i32
    %dma_wait3A_29 = arith.constant 0 : i32
    %dma_wait3A_30 = tpu.memref_slice %arg4[%dma_wait3A, %dma_wait3A_28, %dma_wait3A_29] : memref<1024x900x128xf32, #tpu.memory_space<hbm>> -> memref<1x900x128xf32, #tpu.memory_space<hbm>>
    %dma_wait3A_31 = tpu.memref_squeeze %dma_wait3A_30 : memref<1x900x128xf32, #tpu.memory_space<hbm>> -> memref<900x128xf32, #tpu.memory_space<hbm>>
    %dma_wait3A_32 = arith.constant 0 : i32
    %dma_wait3A_33 = arith.constant 0 : i32
    %dma_wait3A_34 = tpu.memref_slice %arg4[%dma_wait3A, %dma_wait3A_32, %dma_wait3A_33] : memref<1024x900x128xf32, #tpu.memory_space<hbm>> -> memref<1x900x128xf32, #tpu.memory_space<hbm>>
    %dma_wait3A_35 = tpu.memref_squeeze %dma_wait3A_34 : memref<1x900x128xf32, #tpu.memory_space<hbm>> -> memref<900x128xf32, #tpu.memory_space<hbm>>
    tpu.wait_dma2 semaphore(%arg11 : memref<!tpu.dma_semaphore, #tpu.memory_space<semaphore_mem>>) src(%arg9 : memref<900x128xf32, #tpu.memory_space<vmem>>) dst(%dma_wait3A_35 : memref<900x128xf32, #tpu.memory_space<hbm>>)
    return
  }
}

module attributes {stable_mosaic.version = 14 : i64} {
  func.func @_comb_body(%arg0: memref<10x128xf32, #tpu.memory_space<vmem>>, %arg1: memref<900x128xf32, #tpu.memory_space<vmem>>, %arg2: memref<900x10x128xf32, #tpu.memory_space<vmem>>) attributes {dimension_semantics = [], scalar_prefetch = 0 : i64, scratch_operands = 0 : i64, tpu.core_type = #tpu.core_type<tc>} {
    %get3A = arith.constant 0 : index
    %get3A_0 = arith.constant 0 : index
    %get3A_1 = vector.load %arg1[%get3A, %get3A_0] : memref<900x128xf32, #tpu.memory_space<vmem>>, vector<900x128xf32>
    %broadcast_in_dim3A = vector.shape_cast %get3A_1 : vector<900x128xf32> to vector<900x1x128xf32>
    %get3A_2 = arith.constant 0 : index
    %get3A_3 = arith.constant 0 : index
    %get3A_4 = vector.load %arg0[%get3A_2, %get3A_3] : memref<10x128xf32, #tpu.memory_space<vmem>>, vector<10x128xf32>
    %broadcast_in_dim3A_5 = vector.shape_cast %get3A_4 : vector<10x128xf32> to vector<1x10x128xf32>
    %add3A = vector.broadcast %broadcast_in_dim3A : vector<900x1x128xf32> to vector<900x10x128xf32>
    %add3A_6 = vector.broadcast %broadcast_in_dim3A_5 : vector<1x10x128xf32> to vector<900x10x128xf32>
    %add3A_7 = arith.addf %add3A, %add3A_6 : vector<900x10x128xf32>
    %swap3A = arith.constant 0 : index
    %swap3A_8 = arith.constant 0 : index
    %swap3A_9 = arith.constant 0 : index
    %swap3A_10 = vector.load %arg2[%swap3A, %swap3A_8, %swap3A_9] : memref<900x10x128xf32, #tpu.memory_space<vmem>>, vector<900x10x128xf32>
    tpu.vector_store %arg2[%swap3A, %swap3A_8, %swap3A_9], %add3A_7 {strides = array<i32>} : memref<900x10x128xf32, #tpu.memory_space<vmem>>, vector<900x10x128xf32>,
    return
  }
}

</mosaic_0001>

<sc_bundles>
// kernel: kernel.4.cloned.1.call-start
scs
__scs_entry_jumppad:
0x0: {  	(pc) =	sbr.rel $0x88, $3  }
0x1: {  	(tag) =	ssettag $0x0;
	lr =	simm.s32 $0x1  }
0x2: {  	[smem:$0x3F9E] =	sst lr;
	_ =	strace $0xD0000000  }
0x3: {  	_ = 	snop  }
0x4: {  	_ = 	snop  }
0x5: {  	_ = 	snop  }
0x6: {  	_ = 	snop  }
0x7: {  	_ = 	snop  }
__scs_overlays_trampoline_lowered:
0x8: {  	[smem:$0x3FAD] =	sst s0  }
0x9: {  	[smem:$0x3FAE] =	sst s1  }
0xa: {  	[smem:$0x3FAF] =	sst s2  }
0xb: {  	[smem:$0x3FB0] =	sst s3  }
0xc: {  	[smem:$0x3FB1] =	sst s4  }
0xd: {  	[smem:$0x3FB2] =	sst s5  }
0xe: {  	[smem:$0x3FB3] =	sst s6  }
0xf: {  	[smem:$0x3FB4] =	sst s7  }
0x10: {  	[smem:$0x3FB5] =	sst s8  }
0x11: {  	[smem:$0x3FB6] =	sst s9;
	s0 =	simm.s32 @!p0 $0x0  }
0x12: {  	s1 =	sld [smem:$0x3F9C];
	s0 =	simm.s32 @p0 $0x1  }
0x13: {  	[smem:$0x3FB7] =	sst s0;
	s0 =	simm.s32 @!p1 $0x0  }
0x14: {  	s2 =	sld [smem:$0x3F9B];
	s0 =	simm.s32 @p1 $0x1  }
0x15: {  	[smem:$0x3FB8] =	sst s0;
	s0 =	simm.s32 @!p2 $0x0  }
0x16: {  	s3 =	sld [smem:$0x3FDB];
	s0 =	simm.s32 @p2 $0x1  }
0x17: {  	s4 =	simm.s32 $0x1BF5;
	[smem:$0x3FBA] =	sst s0  }
0x18: {  	s0 =	sld [smem:$0x3F9D];
	_ =	swait.ge [sflag:s4], $0x0  }
0x19: {  	s7 =	sld [smem:$0x3F9E]  }
0x1a: {  	s8 =	sadd.s32 $0xFFFFE003, lr  }
0x1b: {  	s9 =	sadd.s32 $0xFFFFFEF7, lr;
	s5 =	simm.s32 $0xFFFFFFFF;
	p2 =	slt.u32 s8, $0xFFFFF086  }
0x1c: {  	p1 =	slt.u32 s9, $0xF7A;
	s5 =	simm.s32 @!p2 $0x0  }
0x1d: {  	s5 =	simm.s32 @p1 $0x1;
	p0 =	seq.s32 s7, s2  }
0x1e: {  	s7 =	smul.u32 @!p0 $0xF7A, s2;
	p2 =	seq.s32 @!p0 s5, $0x0  }
0x1f: {  	s9 =	smul.u32 $0xF7A, s1;
	s8 =	simm.s32 @!p0 $0x1BF5;
	p2 =	por !p2, p0  }
0x20: {  	[sflag:s8] =	ssyncset.s32 @!p0 $0xFFFFF086;
	s6 =	sadd.s32 @!p0 s3, s7;
	s7 =	simm.s32 @!p0 $0x108  }
0x21: {  	s3 =	sadd.s32 s3, s9;
	s6 =	sadd.s32 @!p0 $0x88, s6;
	s7 =	simm.s32 @p2 $0x1082  }
0x22: {  	[simem:s7], [sflag:s8] =	dma.local @!p0 [hbm:s6], $0xF7A  }
0x23: {  	s9 =	sor.u32 $0xD0000000, s2;
	s6 =	simm.s32 $0x108;
	_ =	swait.ge @!p0 [sflag:s8], $0x0  }
0x24: {  	s3 =	sadd.s32 $0x88, s3;
	s6 =	simm.s32 @!p1 $0x1082;
	[sflag:s4] =	ssyncset.s32 $0xFFFFF086  }
0x25: {  	[simem:s6], [sflag:s4] =	dma.local [hbm:s3], $0xF7A  }
0x26: {  	[smem:$0x3F9E] =	sst s1;
	(tag) =	ssettag s2;
	_ =	strace s9  }
0x27: {  	s1 =	sld [smem:$0x3FAE]  }
0x28: {  	s2 =	sld [smem:$0x3FAF]  }
0x29: {  	s4 =	sld [smem:$0x3FB1]  }
0x2a: {  	p0 =	seq.s32 s5, $0x0;
	s5 =	sld [smem:$0x3FB2]  }
0x2b: {  	s6 =	sld [smem:$0x3FB3]  }
0x2c: {  	s7 =	sld [smem:$0x3FB4]  }
0x2d: {  	s3 =	simm.s32 $0x108;
	s8 =	sld [smem:$0x3FB5]  }
0x2e: {  	s3 =	simm.s32 @!p0 $0x1082;
	s9 =	sld [smem:$0x3FB6]  }
0x2f: {  	lr =	sadd.s32 s0, s3;
	s0 =	sld [smem:$0x3FAD]  }
0x30: {  	s3 =	sld [smem:$0x3FB0]  }
0x31: {  	[smem:$0x3FB9] =	sst s10  }
0x32: {  	s10 =	sld [smem:$0x3FB7];
	_ =	sdelay $0x3  }
0x33: {  	p0 =	seq.s32 s10, $0x1;
	s10 =	sld [smem:$0x3FB9];
	_ =	sdelay $0x3  }
0x34: {  	[smem:$0x3FB9] =	sst s10  }
0x35: {  	s10 =	sld [smem:$0x3FB8];
	_ =	sdelay $0x3  }
0x36: {  	p1 =	seq.s32 s10, $0x1;
	s10 =	sld [smem:$0x3FB9];
	_ =	sdelay $0x3  }
0x37: {  	[smem:$0x3FB9] =	sst s10  }
0x38: {  	s10 =	sld [smem:$0x3FBA]  }
0x39: {  	_ = 	snop;
	(pc) =	sbr.ind lr, $3  }
0x3a: {  	_ = 	snop  }
0x3b: {  	_ = 	snop  }
0x3c: {  	p2 =	seq.s32 s10, $0x1;
	s10 =	sld [smem:$0x3FB9]  }
0x3d: {  	_ =	shalt  }
0x3e: {  	_ =	shalt  }
0x3f: {  	_ =	shalt  }
0x40: {  	_ =	shalt  }
0x41: {  	_ =	shalt  }
0x42: {  	_ =	shalt  }
0x43: {  	_ =	shalt  }
0x44: {  	_ =	shalt  }
0x45: {  	_ =	shalt  }
0x46: {  	_ =	shalt  }
0x47: {  	_ =	shalt  }
0x48: {  	_ =	shalt  }
0x49: {  	_ =	shalt  }
0x4a: {  	_ =	shalt  }
0x4b: {  	_ =	shalt  }
0x4c: {  	_ =	shalt  }
0x4d: {  	_ =	shalt  }
0x4e: {  	_ =	shalt  }
0x4f: {  	_ =	shalt  }
0x50: {  	_ =	shalt  }
0x51: {  	_ =	shalt  }
0x52: {  	_ =	shalt  }
0x53: {  	_ =	shalt  }
0x54: {  	_ =	shalt  }
0x55: {  	_ =	shalt  }
0x56: {  	_ =	shalt  }
0x57: {  	_ =	shalt  }
0x58: {  	_ =	shalt  }
0x59: {  	_ =	shalt  }
0x5a: {  	_ =	shalt  }
0x5b: {  	_ =	shalt  }
0x5c: {  	_ =	shalt  }
0x5d: {  	_ =	shalt  }
0x5e: {  	_ =	shalt  }
0x5f: {  	_ =	shalt  }
0x60: {  	_ =	shalt  }
0x61: {  	_ =	shalt  }
0x62: {  	_ =	shalt  }
0x63: {  	_ =	shalt  }
0x64: {  	_ =	shalt  }
0x65: {  	_ =	shalt  }
0x66: {  	_ =	shalt  }
0x67: {  	_ =	shalt  }
0x68: {  	_ =	shalt  }
0x69: {  	_ =	shalt  }
0x6a: {  	_ =	shalt  }
0x6b: {  	_ =	shalt  }
0x6c: {  	_ =	shalt  }
0x6d: {  	_ =	shalt  }
0x6e: {  	_ =	shalt  }
0x6f: {  	_ =	shalt  }
0x70: {  	_ =	shalt  }
0x71: {  	_ =	shalt  }
0x72: {  	_ =	shalt  }
0x73: {  	_ =	shalt  }
0x74: {  	_ =	shalt  }
0x75: {  	_ =	shalt  }
0x76: {  	_ =	shalt  }
0x77: {  	_ =	shalt  }
0x78: {  	_ =	shalt  }
0x79: {  	_ =	shalt  }
0x7a: {  	_ =	shalt  }
0x7b: {  	_ =	shalt  }
0x7c: {  	_ =	shalt  }
0x7d: {  	_ =	shalt  }
0x7e: {  	_ =	shalt  }
0x7f: {  	_ =	shalt  }
0x80: {  	_ =	shalt  }
0x81: {  	_ =	shalt  }
0x82: {  	_ =	shalt  }
0x83: {  	_ =	shalt  }
0x84: {  	_ =	shalt  }
0x85: {  	_ =	shalt  }
0x86: {  	_ =	shalt  }
0x87: {  	_ =	shalt  }
.Lfunc_end0:
.L_simem_size_0:
called_computation_lowered:
.L_overlay_start_0:
0x88: {  	s2 =	sld [smem:$0x3FD9]  }
0x89: {  	s3 =	sld [smem:$0x3FFE];
	_ =	sdelay $0x1  }
0x8a: {  	s1 =	srdreg.scid  }
0x8b: {  	s0 =	sand.u32 $0x1, s1  }
0x8c: {  	s17 =	sshll.u32 s0, $0xA;
	s2 =	sadd.s32 s3, s2  }
0x8d: {  	s2 =	sadd.s32 s2, s17  }
0x8e: {  	[smem:$0x3FC5] =	sst s2  }
0x8f: {  	_ = 	snop  }
0x90: {  	s2 =	sld [smem:$0x3FD0];
	(tm) =	ssettm $0x1  }
0x91: {  	s18 =	sld [smem:$0x3FFB];
	_ =	sdelay $0x3  }
0x92: {  	_ =	strace s18  }
0x93: {  	s3 =	sld [smem:$0x3FFC];
	_ =	sdelay $0x3  }
0x94: {  	_ =	strace s3  }
0x95: {  	s3 =	sld [smem:$0x3FFD];
	_ =	sdelay $0x3  }
0x96: {  	_ =	strace s3  }
0x97: {  	_ =	strace $0x8FFFFFFF  }
0x98: {  	s19 =	sld [smem:$0x3FDB];
	_ =	sdelay $0x1  }
0x99: {  	s4 =	simm.s32 $_scs_section_size  }
0x9a: {  	s5 =	simm.s32 $_size__tile_overlayer_lowered;
	s6 =	simm.s32 $_tile_overlayer_lowered  }
0x9b: {  	s22 =	simm.s32 $0x1BFF;
	s21 =	sshll.u32 s6, $0x1;
	s3 =	sadd.s32 s4, s19  }
0x9c: {  	s7 =	simm.s32 $0x0;
	s20 =	sshll.u32 s5, $0x1;
	s5 =	sadd.s32 s21, s3  }
0x9d: {  	[timem:s7], [sflag:s22] =	dma.local [hbm:s5], s20  }
0x9e: {  	_ =	swait.ge [sflag:s22], s20  }
0x9f: {  	s4 =	ssub.s32 $0x0, s20;
	[sflag:s22] =	ssyncset.done $0x0  }
0xa0: {  	[sflag:s22] =	ssyncadd.s32 s4;
	_ =	sdelay $0x1  }
0xa1: {  	s23 =	simm.s32 $0x1B8B  }
0xa2: {  	_ =	swait.ge [sflag:s23], $0x1  }
0xa3: {  	[sflag:s23] =	ssyncset.done $0x0  }
0xa4: {  	s25 =	simm.s32 $0x1B8E;
	s24 =	sld [smem:$0x3FFE];
	[sflag:s23] =	ssyncadd.s32 $0xFFFFFFFF  }
0xa5: {  	s26 =	simm.s32 $execute0_lowered;
	[smem:$0x3FD2] =	sst s25  }
0xa6: {  	s5 =	sshll.u32 s26, $0x1;
	_ =	strace $0x80000046;
	[dreg:$0x1] =	wrdreg $0xFFFFFFFF  }
0xa7: {  	s28 =	simm.s32 $_size_execute0_lowered;
	s3 =	sadd.s32 s3, s5;
	[dreg:$0x0] =	wrdreg $0x0  }
0xa8: {  	s5 =	sshll.u32 s28, $0x1;
	[dreg:$0x2] =	wrdreg s3  }
0xa9: {  	[dreg:$0x3] =	wrdreg s5  }
0xaa: {  	[dreg:$0x4] =	wrdreg $0xC0  }
0xab: {  	_ =	task [dreg:s7], $0x5FFFF  }
0xac: {  	[dreg:$0x1] =	wrdreg $0xFFFFFFFF  }
0xad: {  	[dreg:$0x0] =	wrdreg $0x60  }
0xae: {  	[dreg:$0x2] =	wrdreg s2  }
0xaf: {  	[dreg:$0x3] =	wrdreg s24  }
0xb0: {  	[dreg:$0x4] =	wrdreg $0x9  }
0xb1: {  	_ =	task.clear_ibuf [dreg:s7], $0x5FFFF;
	_ =	strace $0x90000046  }
0xb2: {  	s29 =	simm.s32 $0x9;
	_ =	strace $0x80000048  }
0xb3: {  	_ =	swait.ge [sflag:s29], $0x1  }
0xb4: {  	[sflag:s29] =	ssyncadd.s32 $0xFFFFFFFF  }
0xb5: {  	_ =	strace $0x90000048  }
0xb6: {  	_ =	sfence  }
0xb7: {  	s30 =	sld [smem:$0x0];
	_ =	sdelay $0x2  }
0xb8: {  	s31 =	sshll.u32 s1, $0xD;
	s1 =	sshrl.u32 s1, $0x2  }
0xb9: {  	s3 =	sand.u32 $0x4000, s31;
	s1 =	sadd.s32 s1, s30  }
0xba: {  	s0 =	sor.u32 s3, s0;
	s1 =	sshll.u32 s1, $0x11  }
0xbb: {  	s0 =	sor.u32 s1, s0  }
0xbc: {  	s0 =	sadd.s32 $0x8F2B, s0  }
0xbd: {  	[sflag:s0] =	ssyncadd.remote.s32 $0x1  }
0xbe: {  	_ =	sfence.sel $0xFFFF  }
0xbf: {  	[dreg:$0x0] =	wrdreg $0xFFFFFFFF;
	(pc) =	sbr.abs _section_cstart, $3  }
0xc0: {  	[dreg:$0x1] =	wrdreg $0xFFFFFFFF  }
0xc1: {  	_ =	task.clear_ibuf [dreg:s7], $0x2FFFF;
	_ =	strace $0x9FFFFFFF  }
0xc2: {  	(tm) =	ssettm $0x7FFFFFFF  }
0xc3: {  	_ =	shalt  }
tec
execute0_lowered:
.L_overlay_start_1:
0x0: {  	(tag) =	ssettag $0x1  }
0x1: {  	s0 =	srdreg.scid  }
0x2: {  	s9 =	stileid.u32;
	s3 =	rddreg [dreg:$0x0]  }
0x3: {  	s7 =	rddreg [dreg:$0x1];
	s5 =	simm.s32 $0x0;
	s12 =	simm.s32 $0x3  }
0x4: {  	s13 =	simm.s32 $0x78;
	s15 =	simm.s32 $0x1000;
	s17 =	simm.s32 $0x4C00  }
0x5: {  	s19 =	simm.s32 $0x8800;
	s21 =	simm.s32 $0xC400;
	s23 =	simm.s32 $0x10000  }
0x6: {  	s25 =	simm.s32 $0x13C00;
	s28 =	simm.s32 $0x17800;
	s29 =	simm.s32 $0x3C  }
0x7: {  	s31 =	simm.s32 $0x1B400;
	s14 =	simm.s32 $0xD68;
	s16 =	simm.s32 $0xDE0  }
0x8: {  	s18 =	simm.s32 $0xE58;
	s20 =	simm.s32 $0xED0;
	s22 =	simm.s32 $0xF48  }
0x9: {  	s10 =	simm.s32 $0x0;
	s0 =	sand.u32 $0x1, s0;
	s2 =	sshll.u32 s9, $0x1  }
0xa: {  	[smem:$0x7FF] =	sst s5;
	s6 =	sadd.s32 $0x800, s7;
	s1 =	sor.u32 s0, s2  }
0xb: {  	s7 =	sadd.s32 $0x1D000, s7;
	s0 =	ssub.s32 $0x2, s0;
	s4 =	sshll.u32 s1, $0x5  }
.Ltmp0:
0xc: {  	s8 =	sshrl.u32 s0, $0x1;
	s1 =	sor.u32 s2, s4;
	(pc) =	sbr.rel .LBB2_1-.Ltmp0, $4  }
0xd: {  	s30 =	sadd.s32 $0x2, s2;
	s0 =	ssub.s32 s0, s8;
	s1 =	smul.u32 $0x72, s1  }
0xe: {  	_ =	strace $0x80000047;
	[dreg:$0x4] =	wrdreg s30;
	s0 =	smax.u32 s0, $0x1  }
0xf: {  	v0 =	vlaneseq.u32;
	s9 =	sshllo.u32 s9, $0x1;
	[dreg:$0x5] =	wrdreg s0;
	s1 =	sadd.s32 s6, s1  }
0x10: {  	v0 =	vmul.u32 $0xA, v0;
	s0 =	simm.s32 $0x2;
	[dreg:$0x3] =	wrdreg s1;
	s1 =	simm.s32 $0x1  }
.LBB2_13:
0x11: {  	_ =	swait.ge [sflag:s0], $0x1C200  }
0x12: {  	s10 =	rddreg [dreg:$0x6]  }
0x13: {  	s8 =	rddreg [dreg:$0x5];
	s10 =	sadd.s32 $0x1, s10  }
0x14: {  	p0 =	sne.s32 s10, s8  }
.Ltmp1:
0x15: {  	_ = 	snop;
	(pc) =	sbr.rel @!p0 .LBB2_14-.Ltmp1, $3  }
0x16: {  	_ =	sdelay $0x1  }
0x17: {  	[sflag:s0] =	ssyncset.done $0x0  }
0x18: {  	[sflag:s0] =	ssyncadd.s32 $0xFFFE3E00  }
.LBB2_1:
0x19: {  	v1 =	vmov s5  }
0x1a: {  	v1 =	vmul.u32 $0xA, v1;
	_ =	sdelay $0x1  }
0x1b: {  	v1 =	vbroadcast v1, $0x0;
	_ =	sdelay $0x1  }
0x1c: {  	[dreg:$0x6] =	wrdreg s10;
	s24 =	simm.s32 $0x400;
	s8 =	simm.s32 $0x10;
	v1 =	vadd.s32 v0, v1  }
.LBB2_2:
0x1d: {  	v2 =	vmov s8;
	p0 =	sne.s32 s8, $0x380;
	s8 =	sadd.s32 $0x10, s8;
	[tilespmem:s24+$0x0] =	vst v1  }
.Ltmp2:
0x1e: {  	v1 =	vmul.u32 $0xA, v2;
	(pc) =	sbr.rel @p0 .LBB2_2-.Ltmp2, $3  }
0x1f: {  	_ = 	snop  }
0x20: {  	v1 =	vbroadcast v1, $0x0;
	_ =	sdelay $0x1  }
0x21: {  	s24 =	sadd.s32 $0x10, s24;
	v1 =	vadd.s32 v0, v1  }
0x22: {  	[tilespmem:s24+$0x0] =	vst v1;
	s24 =	simm.s32 $0x0;
	s8 =	rddreg [dreg:$0x3]  }
0x23: {  	[tilespmem:s24], [sflag:$0x3] =	stream.linear.gather [hbm4b:s8+s24], $0x390, $0x38;
	[tilespmem:$0x1D400] =	vst v63  }
0x24: {  	_ =	swait.ge [sflag:s12], $0x390  }
0x25: {  	[sflag:s12] =	ssyncset.done $0x0  }
0x26: {  	s26 =	simm.s32 $0x0;
	[sflag:s12] =	ssyncadd.s32 $0xFFFFFC70  }
0x27: {  	v1 =	vld [tilespmem:s26+$0x400]  }
0x28: {  	s8 =	simm.s32 $0x40;
	v2 =	vld [tilespmem:s26+$0x0]  }
.LBB2_4:
0x29: {  	p0 =	sne.s32 s8, $0xE00  }
.Ltmp3:
0x2a: {  	_ = 	snop;
	(pc) =	sbr.rel @p0 .LBB2_4-.Ltmp3, $4  }
0x2b: {  	_ = 	snop  }
0x2c: {  	s11 =	sshra.s32 s8, $0x2  }
0x2d: {  	s8 =	sadd.s32 $0x40, s8;
	v3 =	vadd.s32 v1, v2;
	v1 =	vld [tilespmem:s11+$0x400]  }
0x2e: {  	v2 =	vld [tilespmem:s11+$0x0];
	[tilespmem:s26+$0x800] =	vst v3;
	s26 =	smov.u32 s11  }
0x2f: {  	_ = 	snop  }
.Ltmp4:
0x30: {  	_ = 	snop;
	(pc) =	sbr.rel .LBB2_6-.Ltmp4, $3  }
0x31: {  	_ =	sdelay $0x1  }
0x32: {  	v1 =	vadd.s32 v1, v2  }
0x33: {  	[tilespmem:s26+$0x800] =	vst v1  }
.LBB2_12:
0x34: {  	_ =	swait.ge [sflag:s1], $0x3C00  }
0x35: {  	[sflag:s1] =	ssyncset.done $0x0  }
0x36: {  	[sflag:s1] =	ssyncadd.s32 $0xFFFFC400  }
0x37: {  	_ =	swait.ge [sflag:s1], $0x3C00  }
0x38: {  	[sflag:s1] =	ssyncset.done $0x0  }
0x39: {  	[sflag:s1] =	ssyncadd.s32 $0xFFFFC400  }
0x3a: {  	_ =	swait.ge [sflag:s1], $0x3C00  }
0x3b: {  	[sflag:s1] =	ssyncset.done $0x0  }
0x3c: {  	[sflag:s1] =	ssyncadd.s32 $0xFFFFC400  }
0x3d: {  	_ =	swait.ge [sflag:s1], $0x3C00  }
0x3e: {  	[sflag:s1] =	ssyncset.done $0x0  }
0x3f: {  	[sflag:s1] =	ssyncadd.s32 $0xFFFFC400  }
0x40: {  	_ =	swait.ge [sflag:s1], $0x3C00  }
0x41: {  	[sflag:s1] =	ssyncset.done $0x0  }
0x42: {  	[sflag:s1] =	ssyncadd.s32 $0xFFFFC400  }
0x43: {  	_ =	swait.ge [sflag:s1], $0x3C00  }
0x44: {  	[sflag:s1] =	ssyncset.done $0x0  }
0x45: {  	[sflag:s1] =	ssyncadd.s32 $0xFFFFC400  }
0x46: {  	s24 =	sadd.s32 $0x1, s24;
	_ =	swait.ge [sflag:s1], $0x3C00  }
0x47: {  	p0 =	sne.s32 s24, $0x10;
	[sflag:s1] =	ssyncset.done $0x0  }
.Ltmp5:
0x48: {  	[sflag:s1] =	ssyncadd.s32 $0xFFFFC400;
	(pc) =	sbr.rel @!p0 .LBB2_13-.Ltmp5, $4  }
0x49: {  	s8 =	smul.u32 $0x3880, s26;
	_ =	swait.ge [sflag:s1], $0x1E00  }
0x4a: {  	[sflag:s1] =	ssyncset.done $0x0  }
0x4b: {  	s8 =	sadd.s32 s7, s8;
	[sflag:s1] =	ssyncadd.s32 $0xFFFFE200  }
0x4c: {  	[hbm4b:s8+s5] =	stream.linear.scatter [tilespmem:s15], [sflag:$0x2], $0x1C200, $0x38;
	[tilespmem:$0x1D400] =	vst v63  }
.LBB2_6:
0x4d: {  	p0 =	seq.s32 s24, $0x0  }
0x4e: {  	s8 =	simm.s32 @!p0 $0x2  }
0x4f: {  	_ =	swait.ge @!p0 [sflag:s8], $0x1C200  }
0x50: {  	[sflag:s8] =	ssyncset.done @!p0 $0x0  }
0x51: {  	s11 =	simm.s32 $0x800;
	[sflag:s8] =	ssyncadd.s32 @!p0 $0xFFFE3E00  }
0x52: {  	[tilespmem:s15], [sflag:$0x1] =	stream.indirect.gather [hbm4b:s3+s13], $0x80, s11, s13, $0xb8;
	[tilespmem:$0x1D400] =	vst v63  }
0x53: {  	s26 =	simm.s32 $0x878  }
0x54: {  	[tilespmem:s17], [sflag:$0x1] =	stream.indirect.gather [hbm4b:s3+s13], $0x80, s26, s13, $0xb8;
	[tilespmem:$0x1D400] =	vst v63  }
0x55: {  	s10 =	simm.s32 $0x8F0  }
0x56: {  	[tilespmem:s19], [sflag:$0x1] =	stream.indirect.gather [hbm4b:s3+s13], $0x80, s10, s13, $0xb8;
	[tilespmem:$0x1D400] =	vst v63  }
0x57: {  	s11 =	simm.s32 $0x968  }
0x58: {  	[tilespmem:s21], [sflag:$0x1] =	stream.indirect.gather [hbm4b:s3+s13], $0x80, s11, s13, $0xb8;
	[tilespmem:$0x1D400] =	vst v63  }
0x59: {  	s30 =	sshll.u32 s24, $0x1;
	s26 =	simm.s32 $0x9E0  }
0x5a: {  	[tilespmem:s23], [sflag:$0x1] =	stream.indirect.gather [hbm4b:s3+s13], $0x80, s26, s13, $0xb8;
	[tilespmem:$0x1D400] =	vst v63  }
0x5b: {  	s26 =	sadd.s32 s30, s9  }
0x5c: {  	s10 =	simm.s32 $0xA58;
	s8 =	sand.u32 $0x1F, s26  }
0x5d: {  	[tilespmem:s25], [sflag:$0x1] =	stream.indirect.gather [hbm4b:s3+s13], $0x80, s10, s13, $0xb8;
	[tilespmem:$0x1D400] =	vst v63  }
0x5e: {  	s11 =	simm.s32 $0xAD0;
	s26 =	sor.u32 s4, s8  }
0x5f: {  	[tilespmem:s28], [sflag:$0x1] =	stream.indirect.gather [hbm4b:s3+s13], $0x80, s11, s13, $0xb8;
	[tilespmem:$0x1D400] =	vst v63  }
0x60: {  	s10 =	simm.s32 $0xB48;
	s8 =	smul.u32 $0x72, s26  }
0x61: {  	[tilespmem:s31], [sflag:$0x1] =	stream.indirect.gather [hbm4b:s3+s29], $0x80, s10, s29, $0xb8;
	[tilespmem:$0x1D400] =	vst v63  }
0x62: {  	s11 =	simm.s32 $0x0;
	s8 =	sadd.s32 s6, s8  }
0x63: {  	[tilespmem:s11], [sflag:$0x3] =	stream.linear.gather [hbm4b:s8+s11], $0x390, $0x38;
	[tilespmem:$0x1D400] =	vst v63  }
0x64: {  	_ =	swait.ge [sflag:s12], $0x390  }
0x65: {  	[sflag:s12] =	ssyncset.done $0x0  }
0x66: {  	s8 =	simm.s32 $0x0;
	[sflag:s12] =	ssyncadd.s32 $0xFFFFFC70  }
0x67: {  	v1 =	vld [tilespmem:s8+$0x400]  }
0x68: {  	s11 =	simm.s32 $0x40;
	v2 =	vld [tilespmem:s8+$0x0]  }
.LBB2_7:
0x69: {  	p0 =	sne.s32 s11, $0xE00  }
.Ltmp6:
0x6a: {  	_ = 	snop;
	(pc) =	sbr.rel @p0 .LBB2_7-.Ltmp6, $4  }
0x6b: {  	_ = 	snop  }
0x6c: {  	s10 =	sshra.s32 s11, $0x2  }
0x6d: {  	s11 =	sadd.s32 $0x40, s11;
	v3 =	vadd.s32 v1, v2;
	v1 =	vld [tilespmem:s10+$0x400]  }
0x6e: {  	v2 =	vld [tilespmem:s10+$0x0];
	[tilespmem:s8+$0xC00] =	vst v3;
	s8 =	smov.u32 s10  }
0x6f: {  	_ =	sdelay $0x3  }
0x70: {  	v1 =	vadd.s32 v1, v2  }
0x71: {  	[tilespmem:s8+$0xC00] =	vst v1  }
0x72: {  	_ =	swait.ge [sflag:s1], $0x3C00  }
0x73: {  	[sflag:s1] =	ssyncset.done $0x0  }
0x74: {  	[sflag:s1] =	ssyncadd.s32 $0xFFFFC400  }
0x75: {  	_ =	swait.ge [sflag:s1], $0x3C00  }
0x76: {  	[sflag:s1] =	ssyncset.done $0x0  }
0x77: {  	[sflag:s1] =	ssyncadd.s32 $0xFFFFC400  }
0x78: {  	_ =	swait.ge [sflag:s1], $0x3C00  }
0x79: {  	[sflag:s1] =	ssyncset.done $0x0  }
0x7a: {  	[sflag:s1] =	ssyncadd.s32 $0xFFFFC400  }
0x7b: {  	_ =	swait.ge [sflag:s1], $0x3C00  }
0x7c: {  	[sflag:s1] =	ssyncset.done $0x0  }
0x7d: {  	[sflag:s1] =	ssyncadd.s32 $0xFFFFC400  }
0x7e: {  	_ =	swait.ge [sflag:s1], $0x3C00  }
0x7f: {  	[sflag:s1] =	ssyncset.done $0x0  }
0x80: {  	[sflag:s1] =	ssyncadd.s32 $0xFFFFC400  }
0x81: {  	_ =	swait.ge [sflag:s1], $0x3C00  }
0x82: {  	[sflag:s1] =	ssyncset.done $0x0  }
0x83: {  	[sflag:s1] =	ssyncadd.s32 $0xFFFFC400  }
0x84: {  	s10 =	sadd.s32 s2, s30;
	_ =	swait.ge [sflag:s1], $0x3C00  }
0x85: {  	s8 =	sand.u32 $0x1E, s10;
	[sflag:s1] =	ssyncset.done $0x0  }
0x86: {  	s8 =	sor.u32 s4, s8;
	[sflag:s1] =	ssyncadd.s32 $0xFFFFC400  }
0x87: {  	s8 =	smul.u32 $0x3880, s8;
	_ =	swait.ge [sflag:s1], $0x1E00  }
0x88: {  	[sflag:s1] =	ssyncset.done $0x0  }
0x89: {  	s8 =	sadd.s32 s7, s8;
	[sflag:s1] =	ssyncadd.s32 $0xFFFFE200  }
0x8a: {  	[hbm4b:s8+s5] =	stream.linear.scatter [tilespmem:s15], [sflag:$0x2], $0x1C200, $0x38;
	[tilespmem:$0x1D400] =	vst v63  }
0x8b: {  	_ =	swait.ge [sflag:s0], $0x1C200  }
0x8c: {  	[sflag:s0] =	ssyncset.done $0x0  }
0x8d: {  	s11 =	simm.s32 $0xC00;
	[sflag:s0] =	ssyncadd.s32 $0xFFFE3E00  }
0x8e: {  	[tilespmem:s15], [sflag:$0x1] =	stream.indirect.gather [hbm4b:s3+s13], $0x80, s11, s13, $0xb8;
	[tilespmem:$0x1D400] =	vst v63  }
0x8f: {  	s10 =	simm.s32 $0xC78  }
0x90: {  	[tilespmem:s17], [sflag:$0x1] =	stream.indirect.gather [hbm4b:s3+s13], $0x80, s10, s13, $0xb8;
	[tilespmem:$0x1D400] =	vst v63  }
0x91: {  	s11 =	simm.s32 $0xCF0  }
0x92: {  	[tilespmem:s19], [sflag:$0x1] =	stream.indirect.gather [hbm4b:s3+s13], $0x80, s11, s13, $0xb8;
	[tilespmem:$0x1D400] =	vst v63  }
0x93: {  	_ = 	snop  }
0x94: {  	[tilespmem:s21], [sflag:$0x1] =	stream.indirect.gather [hbm4b:s3+s13], $0x80, s14, s13, $0xb8;
	[tilespmem:$0x1D400] =	vst v63  }
0x95: {  	_ = 	snop  }
0x96: {  	[tilespmem:s23], [sflag:$0x1] =	stream.indirect.gather [hbm4b:s3+s13], $0x80, s16, s13, $0xb8;
	[tilespmem:$0x1D400] =	vst v63  }
0x97: {  	p0 =	seq.s32 s24, $0xF  }
0x98: {  	[tilespmem:s25], [sflag:$0x1] =	stream.indirect.gather [hbm4b:s3+s13], $0x80, s18, s13, $0xb8;
	[tilespmem:$0x1D400] =	vst v63  }
.Ltmp7:
0x99: {  	_ = 	snop;
	(pc) =	sbr.rel @p0 .LBB2_12-.Ltmp7, $4  }
0x9a: {  	_ = 	snop  }
0x9b: {  	[tilespmem:s28], [sflag:$0x1] =	stream.indirect.gather [hbm4b:s3+s13], $0x80, s20, s13, $0xb8;
	[tilespmem:$0x1D400] =	vst v63  }
0x9c: {  	_ = 	snop  }
0x9d: {  	[tilespmem:s31], [sflag:$0x1] =	stream.indirect.gather [hbm4b:s3+s29], $0x80, s22, s29, $0xb8;
	[tilespmem:$0x1D400] =	vst v63  }
0x9e: {  	s8 =	rddreg [dreg:$0x4]  }
0x9f: {  	s8 =	sadd.s32 s30, s8  }
0xa0: {  	s8 =	sand.u32 $0x1E, s8  }
0xa1: {  	s8 =	sor.u32 s4, s8  }
0xa2: {  	s8 =	smul.u32 $0x72, s8;
	_ =	sdelay $0x1  }
0xa3: {  	s10 =	simm.s32 $0x0;
	s8 =	sadd.s32 s6, s8  }
0xa4: {  	[tilespmem:s10], [sflag:$0x3] =	stream.linear.gather [hbm4b:s8+s10], $0x390, $0x38;
	[tilespmem:$0x1D400] =	vst v63  }
0xa5: {  	_ =	swait.ge [sflag:s12], $0x390  }
0xa6: {  	[sflag:s12] =	ssyncset.done $0x0  }
0xa7: {  	s8 =	simm.s32 $0x0;
	[sflag:s12] =	ssyncadd.s32 $0xFFFFFC70  }
0xa8: {  	v1 =	vld [tilespmem:s8+$0x400]  }
0xa9: {  	s11 =	simm.s32 $0x40;
	v2 =	vld [tilespmem:s8+$0x0]  }
.LBB2_10:
0xaa: {  	p0 =	sne.s32 s11, $0xE00  }
.Ltmp8:
0xab: {  	_ = 	snop;
	(pc) =	sbr.rel @p0 .LBB2_10-.Ltmp8, $4  }
0xac: {  	_ = 	snop  }
0xad: {  	s10 =	sshra.s32 s11, $0x2  }
0xae: {  	s11 =	sadd.s32 $0x40, s11;
	v3 =	vadd.s32 v1, v2;
	v1 =	vld [tilespmem:s10+$0x400]  }
0xaf: {  	v2 =	vld [tilespmem:s10+$0x0];
	[tilespmem:s8+$0x800] =	vst v3;
	s8 =	smov.u32 s10  }
0xb0: {  	_ = 	snop  }
.Ltmp9:
0xb1: {  	_ = 	snop;
	(pc) =	sbr.rel .LBB2_12-.Ltmp9, $3  }
0xb2: {  	_ =	sdelay $0x1  }
0xb3: {  	v1 =	vadd.s32 v1, v2  }
0xb4: {  	[tilespmem:s8+$0x800] =	vst v1  }
.LBB2_14:
0xb5: {  	_ =	sfence.sel $0x180000  }
0xb6: {  	[bflag:$0x0] =	sbarrier.arrive $0xFFFF  }
0xb7: {  	_ =	strace $0x90000047  }
0xb8: {  	s0 =	stileid.u32;
	[bflag:$0x2] =	sbarrier.arrive $0xFFFF  }
0xb9: {  	p0 =	sne.s32 s0, $0x0;
	s0 =	rddreg [dreg:$0x2]  }
0xba: {  	s0 =	sadd.s32 @!p0 $0x100000, s0  }
0xbb: {  	[sflag:s0] =	ssyncadd.tile.s32 @!p0 $0x1;
	_ =	shalt  }
.Lfunc_end2:
_tile_overlayer_lowered:
.L_overlay_start_2:
0xbc: {  	(tag) =	ssettag $0x2  }
0xbd: {  	s0 =	rddreg [dreg:$0x0];
	s2 =	stileid.u32  }
0xbe: {  	s1 =	rddreg [dreg:$0x1];
	p0 =	sne.s32 s2, $0x0  }
0xbf: {  	s3 =	rddreg [dreg:$0x2];
	[bflag:$0x3] =	sbarrier.arrive $0xFFFF;
	s2 =	simm.s32 @!p0 $0x1C03  }
0xc0: {  	[timem:s3], [sflag:s2] =	dma.local @!p0 [hbm:s0], s1  }
0xc1: {  	s0 =	simm.s32 @!p0 $0x3  }
0xc2: {  	_ =	swait.ge @!p0 [sflag:s0], s1  }
0xc3: {  	s1 =	ssub.s32 @!p0 $0x0, s1;
	[sflag:s0] =	ssyncset.done @!p0 $0x0  }
0xc4: {  	[sflag:s0] =	ssyncadd.s32 @!p0 s1  }
0xc5: {  	[bflag:$0x3] =	sbarrier.arrive $0xFFFF  }
0xc6: {  	_ =	shalt  }

</sc_bundles>
